<compile_context>
chip_gen: v7x
topology: tpu7x:2x2x1
jax: 0.10.2.dev20260603
libtpu: 0.0.44.dev20260713+nightly
codegen_flags: <defaults>
</compile_context>

<pallas_src>
import functools

import jax
import jax.numpy as jnp
from jax import lax
from jax.experimental import pallas as pl
from jax.experimental.pallas import tpu as pltpu
from jax.experimental.pallas import tpu_sc as plsc

N, E, D, C = 10000, 320000, 128, 40
NP = 10240
NC, NS, L = 2, 16, 16
NW = NC * NS
EPW = E // NW
K = 80
NB = EPW // K
RPT = NP // NS

@functools.cache
def _sc_degree_kernel():
    mesh = plsc.VectorSubcoreMesh(core_axis_name="c", subcore_axis_name="s",
                                  num_cores=NC, num_subcores=NS)
    return pl.kernel(
        _sc_degree_body,
        out_type=jax.ShapeDtypeStruct((NC, NS, NP), jnp.float32),
        mesh=mesh,
        compiler_params=pltpu.CompilerParams(needs_layout_passes=False),
        scratch_types=[
            pltpu.VMEM((EPW,), jnp.int32),
            pltpu.VMEM((NP,), jnp.float32),
        ],
    )


def _sc_degree(dst):
    return _sc_degree_kernel()(dst)


def _sc_degree_body(dst_hbm, out_hbm, idx_v, deg_v):
    cid = lax.axis_index("c")
    sid = lax.axis_index("s")
    wid = sid * NC + cid
    pltpu.sync_copy(dst_hbm.at[pl.ds(wid * EPW, EPW)], idx_v)

    def _zero(j, carry):
        deg_v[pl.ds(j * L, L)] = jnp.zeros((L,), jnp.float32)
        return carry
    lax.fori_loop(0, NP // L, _zero, 0)

    one = jnp.ones((L,), jnp.float32)
    def _hist(j, carry):
        idx16 = idx_v[pl.ds(j * L, L)]
        plsc.addupdate_scatter(deg_v, [idx16], one)
        return carry
    lax.fori_loop(0, EPW // L, _hist, 0)
    pltpu.sync_copy(deg_v, out_hbm.at[cid, sid])


@functools.cache
def _sc_agg_kernel():
    mesh = plsc.VectorSubcoreMesh(core_axis_name="c", subcore_axis_name="s",
                                  num_cores=NC, num_subcores=NS)
    return pl.kernel(
        _sc_agg_body,
        out_type=jax.ShapeDtypeStruct((NC, NP, D), jnp.float32),
        mesh=mesh,
        scratch_types=[
            pltpu.VMEM((EPW,), jnp.int32),
            pltpu.VMEM((NB, K), jnp.int32),
            pltpu.VMEM((K, D), jnp.float32),
            pltpu.VMEM((K, D), jnp.float32),
            pltpu.VMEM_SHARED((NP, D), jnp.float32),
            pltpu.SemaphoreType.DMA,
            pltpu.SemaphoreType.DMA,
            pltpu.SemaphoreType.DMA,
            pltpu.SemaphoreType.DMA,
        ],
    )


def _sc_agg(p, src, dst2, zeros):
    return _sc_agg_kernel()(p, src, dst2, zeros)


def _sc_agg_body(p_hbm, src_hbm, dst2_hbm, zeros_hbm, out_hbm,
                 isrc_v, idst_v, rows0, rows1, acc_sh, gs0, gs1, ss0, ss1):
    cid = lax.axis_index("c")
    sid = lax.axis_index("s")
    wid = sid * NC + cid
    pltpu.sync_copy(zeros_hbm.at[pl.ds(sid * RPT, RPT)],
                    acc_sh.at[pl.ds(sid * RPT, RPT)])
    pltpu.sync_copy(src_hbm.at[pl.ds(wid * EPW, EPW)], isrc_v)
    pltpu.sync_copy(dst2_hbm.at[wid], idst_v)
    plsc.subcore_barrier()

    def _start(j, rows, sem):
        pltpu.async_copy(p_hbm.at[isrc_v.at[pl.ds(j * K, K)]], rows, sem)

    def _wait_g(rows, sem):
        pltpu.make_async_copy(p_hbm.at[pl.ds(0, K)], rows, sem).wait()

    def _sstart(j, rows, sem):
        pltpu.async_copy(rows, acc_sh.at[idst_v.at[j]], sem, add=True)

    def _wait_s(j, rows, sem):
        pltpu.make_async_copy(rows, acc_sh.at[idst_v.at[j]], sem).wait()

    _start(0, rows0, gs0)
    def _body(i, carry):
        j0 = 2 * i
        _start(j0 + 1, rows1, gs1)
        _wait_g(rows0, gs0)
        _sstart(j0, rows0, ss0)
        _wait_g(rows1, gs1)
        _sstart(j0 + 1, rows1, ss1)
        _wait_s(j0, rows0, ss0)
        _start(j0 + 2, rows0, gs0)
        _wait_s(j0 + 1, rows1, ss1)
        return carry
    lax.fori_loop(0, NB // 2, _body, 0)
    _wait_g(rows0, gs0)
    _sstart(NB - 1, rows0, ss0)
    _wait_s(NB - 1, rows0, ss0)

    plsc.subcore_barrier()
    pltpu.sync_copy(acc_sh.at[pl.ds(sid * RPT, RPT)],
                    out_hbm.at[cid, pl.ds(sid * RPT, RPT)])


RB1 = 2048
RB = 2000


def _t1_body(degp_ref, x_ref, dinv_ref, p1_ref):
    d = lax.dot_general(degp_ref[...], jnp.ones((NW, 1), jnp.float32),
                        (((0,), (0,)), ((), ())),
                        preferred_element_type=jnp.float32) + 1.0
    dinv = lax.rsqrt(jnp.maximum(d, 1.0))
    dinv_ref[...] = dinv
    p1_ref[...] = x_ref[...] * dinv


def _t1_call(degp, x):
    return pl.pallas_call(
        _t1_body,
        grid=(NP // RB1,),
        in_specs=[
            pl.BlockSpec((NW, RB1), lambda i: (0, i)),
            pl.BlockSpec((RB1, D), lambda i: (i, 0)),
        ],
        out_specs=[
            pl.BlockSpec((RB1, 1), lambda i: (i, 0)),
            pl.BlockSpec((RB1, D), lambda i: (i, 0)),
        ],
        out_shape=[
            jax.ShapeDtypeStruct((NP, 1), jnp.float32),
            jax.ShapeDtypeStruct((NP, D), jnp.float32),
        ],
    )(degp, x)


def _t2_body(acc_ref, p1_ref, dinv_ref, W1_ref, b1_ref, p2_ref):
    dinv = dinv_ref[...]
    t = (acc_ref[0] + acc_ref[1] + p1_ref[...]) * dinv
    h1 = jnp.maximum(jnp.dot(t, W1_ref[...],
                             preferred_element_type=jnp.float32)
                     + b1_ref[...], 0.0)
    p2_ref[...] = h1 * dinv


def _t2_call(acc1, p1, dinv, W1, b1):
    return pl.pallas_call(
        _t2_body,
        grid=(N // RB,),
        in_specs=[
            pl.BlockSpec((2, RB, D), lambda i: (0, i, 0)),
            pl.BlockSpec((RB, D), lambda i: (i, 0)),
            pl.BlockSpec((RB, 1), lambda i: (i, 0)),
            pl.BlockSpec((D, D), lambda i: (0, 0)),
            pl.BlockSpec((1, D), lambda i: (0, 0)),
        ],
        out_specs=pl.BlockSpec((RB, D), lambda i: (i, 0)),
        out_shape=jax.ShapeDtypeStruct((N, D), jnp.float32),
    )(acc1, p1, dinv, W1, b1.reshape(1, D))


def _t3_body(acc_ref, p2_ref, dinv_ref, W2_ref, b2_ref, Wfc_ref, bfc_ref,
             h_ref, y_ref):
    dinv = dinv_ref[...]
    t = (acc_ref[0] + acc_ref[1] + p2_ref[...]) * dinv
    h = jnp.dot(t, W2_ref[...], preferred_element_type=jnp.float32) + b2_ref[...]
    h_ref[...] = h
    y_ref[...] = (jnp.dot(jnp.maximum(h, 0.0), Wfc_ref[...],
                          preferred_element_type=jnp.float32)
                  + bfc_ref[...])


def _t3_call(acc2, p2, dinv, W2, b2, Wfc, bfc):
    return pl.pallas_call(
        _t3_body,
        grid=(N // RB,),
        in_specs=[
            pl.BlockSpec((2, RB, D), lambda i: (0, i, 0)),
            pl.BlockSpec((RB, D), lambda i: (i, 0)),
            pl.BlockSpec((RB, 1), lambda i: (i, 0)),
            pl.BlockSpec((D, D), lambda i: (0, 0)),
            pl.BlockSpec((1, D), lambda i: (0, 0)),
            pl.BlockSpec((D, C), lambda i: (0, 0)),
            pl.BlockSpec((1, C), lambda i: (0, 0)),
        ],
        out_specs=[
            pl.BlockSpec((RB, D), lambda i: (i, 0)),
            pl.BlockSpec((RB, C), lambda i: (i, 0)),
        ],
        out_shape=[
            jax.ShapeDtypeStruct((N, D), jnp.float32),
            jax.ShapeDtypeStruct((N, C), jnp.float32),
        ],
    )(acc2, p2, dinv, W2, b2.reshape(1, D), Wfc, bfc.reshape(1, C))


def kernel(x, edge_index, W1, b1, W2, b2, Wfc, bfc):
    src = edge_index[0]
    dst = edge_index[1]
    dst2 = dst.reshape(NW, NB, K)
    zD = jnp.zeros((NP, D), jnp.float32)

    degp = _sc_degree(dst)
    degp = degp.reshape(NW, NP)
    xp = jnp.pad(x, ((0, NP - N), (0, 0)))
    dinv, p1 = _t1_call(degp, xp)
    acc1 = _sc_agg(p1, src, dst2, zD)
    p2 = _t2_call(acc1, p1, dinv, W1, b1)
    acc2 = _sc_agg(p2, src, dst2, zD)
    h, y = _t3_call(acc2, p2, dinv, W2, b2, Wfc, bfc)
    return (h, y)

# --- scband reference (transcript-rebuilt; emitter-appended) ---
"""Pipeline reference for scband-gcnfeatures-2156073583057 (READ-ONLY COPY).

The authoritative reference and input builder live on the scoring server;
editing this copy changes nothing except your own understanding.
"""

import jax, jax.numpy as jnp
import numpy as np

N, E, D, C = 10000, 320000, 128, 40

def setup_inputs(seed: int = 0):
    key = jax.random.key(seed)
    ks = jax.random.split(key, 8)
    x = jax.random.normal(ks[0], (N, D), dtype=jnp.float32)
    edge_index = jax.random.randint(ks[1], (2, E), 0, N, dtype=jnp.int32)
    W1 = jax.random.normal(ks[2], (D, D), dtype=jnp.float32) * (1.0 / np.sqrt(D))
    b1 = jnp.zeros((D,), dtype=jnp.float32)
    W2 = jax.random.normal(ks[3], (D, D), dtype=jnp.float32) * (1.0 / np.sqrt(D))
    b2 = jnp.zeros((D,), dtype=jnp.float32)
    Wfc = jax.random.normal(ks[4], (D, C), dtype=jnp.float32) * (1.0 / np.sqrt(D))
    bfc = jnp.zeros((C,), dtype=jnp.float32)
    return {"x": x, "edge_index": edge_index, "W1": W1, "b1": b1, "W2": W2, "b2": b2, "Wfc": Wfc, "bfc": bfc}

def reference(x, edge_index, W1, b1, W2, b2, Wfc, bfc):
    # GCNFeatures with bayes=False: loop over 2 GCNConv layers, relu between,
    # then fc head on relu(x); returns (node_features, logits).
    n = x.shape[0]
    loops = jnp.arange(n, dtype=edge_index.dtype)
    ei = jnp.concatenate([edge_index, jnp.stack([loops, loops])], axis=1)  # add self-loops
    src, dst = ei[0], ei[1]
    ones = jnp.ones((src.shape[0],), dtype=jnp.float32)
    deg = jax.ops.segment_sum(ones, dst, num_segments=n)
    dinv = jax.lax.rsqrt(jnp.clip(deg, 1.0, None))
    norm = dinv[src] * dinv[dst]  # sym-normalized GCN coefficients

    def gcn_conv(h, W, b):
        msg = h[src] * norm[:, None]          # gather (memory-bound)
        agg = jax.ops.segment_sum(msg, dst, num_segments=n)  # scatter-add
        return agg @ W + b

    h = gcn_conv(x, W1, b1)
    h = jax.nn.relu(h)
    h = gcn_conv(h, W2, b2)  # no relu after last conv inside loop
    y = jax.nn.relu(h) @ Wfc + bfc
    return (h, y)

if __name__ == "__main__":
    import jax
    _d = setup_inputs()
    print(jax.jit(kernel)(*tuple(_d.values())))

</pallas_src>

<mosaic_0001>
#map = affine_map<(d0, d1) -> (0)>
#map1 = affine_map<(d0, d1) -> (0, 0, 0)>
module attributes {stable_mosaic.version = 14 : i64} {
  func.func @_sc_degree_body(%arg0: i32, %arg1: i32, %arg2: memref<320000xi32, #tpu.memory_space<hbm>>, %arg3: memref<2x16x10240xf32, #tpu.memory_space<hbm>>, %arg4: memref<10000xi32, #tpu.memory_space<vmem>>, %arg5: memref<10240xf32, #tpu.memory_space<vmem>>) attributes {dimension_semantics = [#tpu.dimension_semantics<core_parallel>, #tpu.dimension_semantics<subcore_parallel>], iteration_bounds = array<i64: 2, 16>, scalar_prefetch = 0 : i64, scratch_operands = 2 : i64, tpu.core_type = #tpu.core_type<sc_vector_subcore>, window_params = [{transform_indices = #map}, {transform_indices = #map1}]} {
    %mul3A = arith.constant 2 : i32
    %mul3A_0 = arith.muli %arg1, %mul3A : i32
    %add3A = arith.addi %mul3A_0, %arg0 : i32
    %mul3A_1 = arith.constant 10000 : i32
    %mul3A_2 = arith.muli %add3A, %mul3A_1 : i32
    "tpu.region"() ({
      %run_scoped3A = tpu.sem_alloc : memref<!tpu.dma_semaphore, #tpu.memory_space<semaphore_mem>>
      %dma_start3A = tpu.memref_slice %arg2[%mul3A_2] : memref<320000xi32, #tpu.memory_space<hbm>> -> memref<10000xi32, #tpu.memory_space<hbm>>
      %dma_start3A_15 = tpu.memref_slice %arg2[%mul3A_2] : memref<320000xi32, #tpu.memory_space<hbm>> -> memref<10000xi32, #tpu.memory_space<hbm>>
      tpu.enqueue_dma source(%dma_start3A_15 : memref<10000xi32, #tpu.memory_space<hbm>>) target(%arg4 : memref<10000xi32, #tpu.memory_space<vmem>>) target_semaphore(%run_scoped3A : memref<!tpu.dma_semaphore, #tpu.memory_space<semaphore_mem>>)
      %dma_wait3A = tpu.memref_slice %arg2[%mul3A_2] : memref<320000xi32, #tpu.memory_space<hbm>> -> memref<10000xi32, #tpu.memory_space<hbm>>
      %dma_wait3A_16 = tpu.memref_slice %arg2[%mul3A_2] : memref<320000xi32, #tpu.memory_space<hbm>> -> memref<10000xi32, #tpu.memory_space<hbm>>
      tpu.wait_dma2 semaphore(%run_scoped3A : memref<!tpu.dma_semaphore, #tpu.memory_space<semaphore_mem>>) src(%dma_wait3A_16 : memref<10000xi32, #tpu.memory_space<hbm>>) dst(%arg4 : memref<10000xi32, #tpu.memory_space<vmem>>)
      tpu.yield
    }) : () -> ()
    %scan3A = arith.constant 0 : i32
    %scan3A_3 = arith.constant 0 : i32
    %scan3A_4 = arith.constant 640 : i32
    %scan3A_5 = arith.addi %scan3A_3, %scan3A_4 : i32
    %scan3A_6 = arith.constant 1 : i32
    scf.for %scan3A_15 = %scan3A_3 to %scan3A_5 step %scan3A_6  : i32 {
      %broadcast_in_dim3A_16 = arith.constant 0.000000e+00 : f32
      %broadcast_in_dim3A_17 = vector.broadcast %broadcast_in_dim3A_16 : f32 to vector<16xf32>
      %mul3A_18 = arith.constant 16 : i32
      %mul3A_19 = arith.muli %scan3A_15, %mul3A_18 : i32
      %swap3A = arith.index_cast %mul3A_19 : i32 to index
      %swap3A_20 = tpu.vector_load %arg5[%swap3A] {strides = array<i32>} : memref<10240xf32, #tpu.memory_space<vmem>>, vector<16xf32>,
      tpu.vector_store %arg5[%swap3A], %broadcast_in_dim3A_17 {strides = array<i32>} : memref<10240xf32, #tpu.memory_space<vmem>>, vector<16xf32>,
    }
    %scan3A_7 = arith.constant 640 : i32
    %broadcast_in_dim3A = arith.constant 1.000000e+00 : f32
    %broadcast_in_dim3A_8 = vector.broadcast %broadcast_in_dim3A : f32 to vector<16xf32>
    %scan3A_9 = arith.constant 0 : i32
    %scan3A_10 = arith.constant 0 : i32
    %scan3A_11 = arith.constant 625 : i32
    %scan3A_12 = arith.addi %scan3A_10, %scan3A_11 : i32
    %scan3A_13 = arith.constant 1 : i32
    scf.for %scan3A_15 = %scan3A_10 to %scan3A_12 step %scan3A_13  : i32 {
      %mul3A_16 = arith.constant 16 : i32
      %mul3A_17 = arith.muli %scan3A_15, %mul3A_16 : i32
      %get3A = arith.index_cast %mul3A_17 : i32 to index
      %get3A_18 = tpu.vector_load %arg4[%get3A] {strides = array<i32>} : memref<10000xi32, #tpu.memory_space<vmem>>, vector<16xi32>,
      tpu.vector_store_idx %arg5[%get3A_18], %broadcast_in_dim3A_8 {add = true} : memref<10240xf32, #tpu.memory_space<vmem>>[vector<16xi32>], vector<16xf32>,
    }
    %scan3A_14 = arith.constant 625 : i32
    "tpu.region"() ({
      %run_scoped3A = tpu.sem_alloc : memref<!tpu.dma_semaphore, #tpu.memory_space<semaphore_mem>>
      %dma_start3A = arith.constant 0 : i32
      %dma_start3A_15 = tpu.memref_slice %arg3[%arg0, %arg1, %dma_start3A] : memref<2x16x10240xf32, #tpu.memory_space<hbm>> -> memref<1x1x10240xf32, #tpu.memory_space<hbm>>
      %dma_start3A_16 = tpu.memref_squeeze %dma_start3A_15 : memref<1x1x10240xf32, #tpu.memory_space<hbm>> -> memref<10240xf32, #tpu.memory_space<hbm>>
      %dma_start3A_17 = arith.constant 0 : i32
      %dma_start3A_18 = tpu.memref_slice %arg3[%arg0, %arg1, %dma_start3A_17] : memref<2x16x10240xf32, #tpu.memory_space<hbm>> -> memref<1x1x10240xf32, #tpu.memory_space<hbm>>
      %dma_start3A_19 = tpu.memref_squeeze %dma_start3A_18 : memref<1x1x10240xf32, #tpu.memory_space<hbm>> -> memref<10240xf32, #tpu.memory_space<hbm>>
      tpu.enqueue_dma source(%arg5 : memref<10240xf32, #tpu.memory_space<vmem>>) target(%dma_start3A_19 : memref<10240xf32, #tpu.memory_space<hbm>>) target_semaphore(%run_scoped3A : memref<!tpu.dma_semaphore, #tpu.memory_space<semaphore_mem>>)
      %dma_wait3A = arith.constant 0 : i32
      %dma_wait3A_20 = tpu.memref_slice %arg3[%arg0, %arg1, %dma_wait3A] : memref<2x16x10240xf32, #tpu.memory_space<hbm>> -> memref<1x1x10240xf32, #tpu.memory_space<hbm>>
      %dma_wait3A_21 = tpu.memref_squeeze %dma_wait3A_20 : memref<1x1x10240xf32, #tpu.memory_space<hbm>> -> memref<10240xf32, #tpu.memory_space<hbm>>
      %dma_wait3A_22 = arith.constant 0 : i32
      %dma_wait3A_23 = tpu.memref_slice %arg3[%arg0, %arg1, %dma_wait3A_22] : memref<2x16x10240xf32, #tpu.memory_space<hbm>> -> memref<1x1x10240xf32, #tpu.memory_space<hbm>>
      %dma_wait3A_24 = tpu.memref_squeeze %dma_wait3A_23 : memref<1x1x10240xf32, #tpu.memory_space<hbm>> -> memref<10240xf32, #tpu.memory_space<hbm>>
      tpu.wait_dma2 semaphore(%run_scoped3A : memref<!tpu.dma_semaphore, #tpu.memory_space<semaphore_mem>>) src(%arg5 : memref<10240xf32, #tpu.memory_space<vmem>>) dst(%dma_wait3A_24 : memref<10240xf32, #tpu.memory_space<hbm>>)
      tpu.yield
    }) : () -> ()
    return
  }
}

#map = affine_map<(d0, d1) -> (0, 0)>
#map1 = affine_map<(d0, d1) -> (0)>
#map2 = affine_map<(d0, d1) -> (0, 0, 0)>
module attributes {stable_mosaic.version = 14 : i64} {
  func.func @_sc_agg_body(%arg0: i32, %arg1: i32, %arg2: memref<10240x128xf32, #tpu.memory_space<hbm>>, %arg3: memref<320000xi32, #tpu.memory_space<hbm>>, %arg4: memref<32x125x80xi32, #tpu.memory_space<hbm>>, %arg5: memref<10240x128xf32, #tpu.memory_space<hbm>>, %arg6: memref<2x10240x128xf32, #tpu.memory_space<hbm>>, %arg7: memref<10000xi32, #tpu.memory_space<vmem>>, %arg8: memref<125x80xi32, #tpu.memory_space<vmem>>, %arg9: memref<80x128xf32, #tpu.memory_space<vmem>>, %arg10: memref<80x128xf32, #tpu.memory_space<vmem>>, %arg11: memref<10240x128xf32, #tpu.memory_space<vmem_shared>>, %arg12: memref<!tpu.dma_semaphore, #tpu.memory_space<semaphore_mem>>, %arg13: memref<!tpu.dma_semaphore, #tpu.memory_space<semaphore_mem>>, %arg14: memref<!tpu.dma_semaphore, #tpu.memory_space<semaphore_mem>>, %arg15: memref<!tpu.dma_semaphore, #tpu.memory_space<semaphore_mem>>) attributes {dimension_semantics = [#tpu.dimension_semantics<core_parallel>, #tpu.dimension_semantics<subcore_parallel>], iteration_bounds = array<i64: 2, 16>, scalar_prefetch = 0 : i64, scratch_operands = 9 : i64, tpu.core_type = #tpu.core_type<sc_vector_subcore>, window_params = [{transform_indices = #map}, {transform_indices = #map1}, {transform_indices = #map2}, {transform_indices = #map}, {transform_indices = #map2}]} {
    %mul3A = arith.constant 2 : i32
    %mul3A_0 = arith.muli %arg1, %mul3A : i32
    %add3A = arith.addi %mul3A_0, %arg0 : i32
    %mul3A_1 = arith.constant 640 : i32
    %mul3A_2 = arith.muli %arg1, %mul3A_1 : i32
    %mul3A_3 = arith.constant 640 : i32
    %mul3A_4 = arith.muli %arg1, %mul3A_3 : i32
    "tpu.region"() ({
      %run_scoped3A = tpu.sem_alloc : memref<!tpu.dma_semaphore, #tpu.memory_space<semaphore_mem>>
      %dma_start3A_40 = arith.constant 0 : i32
      %dma_start3A_41 = tpu.memref_slice %arg11[%mul3A_4, %dma_start3A_40] : memref<10240x128xf32, #tpu.memory_space<vmem_shared>> -> memref<640x128xf32, #tpu.memory_space<vmem_shared>>
      %dma_start3A_42 = arith.constant 0 : i32
      %dma_start3A_43 = tpu.memref_slice %arg5[%mul3A_2, %dma_start3A_42] : memref<10240x128xf32, #tpu.memory_space<hbm>> -> memref<640x128xf32, #tpu.memory_space<hbm>>
      tpu.enqueue_dma source(%dma_start3A_43 : memref<640x128xf32, #tpu.memory_space<hbm>>) target(%dma_start3A_41 : memref<640x128xf32, #tpu.memory_space<vmem_shared>>) target_semaphore(%run_scoped3A : memref<!tpu.dma_semaphore, #tpu.memory_space<semaphore_mem>>)
      %dma_wait3A_44 = arith.constant 0 : i32
      %dma_wait3A_45 = tpu.memref_slice %arg11[%mul3A_4, %dma_wait3A_44] : memref<10240x128xf32, #tpu.memory_space<vmem_shared>> -> memref<640x128xf32, #tpu.memory_space<vmem_shared>>
      %dma_wait3A_46 = arith.constant 0 : i32
      %dma_wait3A_47 = tpu.memref_slice %arg5[%mul3A_2, %dma_wait3A_46] : memref<10240x128xf32, #tpu.memory_space<hbm>> -> memref<640x128xf32, #tpu.memory_space<hbm>>
      tpu.wait_dma2 semaphore(%run_scoped3A : memref<!tpu.dma_semaphore, #tpu.memory_space<semaphore_mem>>) src(%dma_wait3A_47 : memref<640x128xf32, #tpu.memory_space<hbm>>) dst(%dma_wait3A_45 : memref<640x128xf32, #tpu.memory_space<vmem_shared>>)
      tpu.yield
    }) : () -> ()
    %mul3A_5 = arith.constant 10000 : i32
    %mul3A_6 = arith.muli %add3A, %mul3A_5 : i32
    "tpu.region"() ({
      %run_scoped3A = tpu.sem_alloc : memref<!tpu.dma_semaphore, #tpu.memory_space<semaphore_mem>>
      %dma_start3A_40 = tpu.memref_slice %arg3[%mul3A_6] : memref<320000xi32, #tpu.memory_space<hbm>> -> memref<10000xi32, #tpu.memory_space<hbm>>
      %dma_start3A_41 = tpu.memref_slice %arg3[%mul3A_6] : memref<320000xi32, #tpu.memory_space<hbm>> -> memref<10000xi32, #tpu.memory_space<hbm>>
      tpu.enqueue_dma source(%dma_start3A_41 : memref<10000xi32, #tpu.memory_space<hbm>>) target(%arg7 : memref<10000xi32, #tpu.memory_space<vmem>>) target_semaphore(%run_scoped3A : memref<!tpu.dma_semaphore, #tpu.memory_space<semaphore_mem>>)
      %dma_wait3A_42 = tpu.memref_slice %arg3[%mul3A_6] : memref<320000xi32, #tpu.memory_space<hbm>> -> memref<10000xi32, #tpu.memory_space<hbm>>
      %dma_wait3A_43 = tpu.memref_slice %arg3[%mul3A_6] : memref<320000xi32, #tpu.memory_space<hbm>> -> memref<10000xi32, #tpu.memory_space<hbm>>
      tpu.wait_dma2 semaphore(%run_scoped3A : memref<!tpu.dma_semaphore, #tpu.memory_space<semaphore_mem>>) src(%dma_wait3A_43 : memref<10000xi32, #tpu.memory_space<hbm>>) dst(%arg7 : memref<10000xi32, #tpu.memory_space<vmem>>)
      tpu.yield
    }) : () -> ()
    "tpu.region"() ({
      %run_scoped3A = tpu.sem_alloc : memref<!tpu.dma_semaphore, #tpu.memory_space<semaphore_mem>>
      %dma_start3A_40 = arith.constant 0 : i32
      %dma_start3A_41 = arith.constant 0 : i32
      %dma_start3A_42 = tpu.memref_slice %arg4[%add3A, %dma_start3A_40, %dma_start3A_41] : memref<32x125x80xi32, #tpu.memory_space<hbm>> -> memref<1x125x80xi32, #tpu.memory_space<hbm>>
      %dma_start3A_43 = tpu.memref_squeeze %dma_start3A_42 : memref<1x125x80xi32, #tpu.memory_space<hbm>> -> memref<125x80xi32, #tpu.memory_space<hbm>>
      %dma_start3A_44 = arith.constant 0 : i32
      %dma_start3A_45 = arith.constant 0 : i32
      %dma_start3A_46 = tpu.memref_slice %arg4[%add3A, %dma_start3A_44, %dma_start3A_45] : memref<32x125x80xi32, #tpu.memory_space<hbm>> -> memref<1x125x80xi32, #tpu.memory_space<hbm>>
      %dma_start3A_47 = tpu.memref_squeeze %dma_start3A_46 : memref<1x125x80xi32, #tpu.memory_space<hbm>> -> memref<125x80xi32, #tpu.memory_space<hbm>>
      tpu.enqueue_dma source(%dma_start3A_47 : memref<125x80xi32, #tpu.memory_space<hbm>>) target(%arg8 : memref<125x80xi32, #tpu.memory_space<vmem>>) target_semaphore(%run_scoped3A : memref<!tpu.dma_semaphore, #tpu.memory_space<semaphore_mem>>)
      %dma_wait3A_48 = arith.constant 0 : i32
      %dma_wait3A_49 = arith.constant 0 : i32
      %dma_wait3A_50 = tpu.memref_slice %arg4[%add3A, %dma_wait3A_48, %dma_wait3A_49] : memref<32x125x80xi32, #tpu.memory_space<hbm>> -> memref<1x125x80xi32, #tpu.memory_space<hbm>>
      %dma_wait3A_51 = tpu.memref_squeeze %dma_wait3A_50 : memref<1x125x80xi32, #tpu.memory_space<hbm>> -> memref<125x80xi32, #tpu.memory_space<hbm>>
      %dma_wait3A_52 = arith.constant 0 : i32
      %dma_wait3A_53 = arith.constant 0 : i32
      %dma_wait3A_54 = tpu.memref_slice %arg4[%add3A, %dma_wait3A_52, %dma_wait3A_53] : memref<32x125x80xi32, #tpu.memory_space<hbm>> -> memref<1x125x80xi32, #tpu.memory_space<hbm>>
      %dma_wait3A_55 = tpu.memref_squeeze %dma_wait3A_54 : memref<1x125x80xi32, #tpu.memory_space<hbm>> -> memref<125x80xi32, #tpu.memory_space<hbm>>
      tpu.wait_dma2 semaphore(%run_scoped3A : memref<!tpu.dma_semaphore, #tpu.memory_space<semaphore_mem>>) src(%dma_wait3A_55 : memref<125x80xi32, #tpu.memory_space<hbm>>) dst(%arg8 : memref<125x80xi32, #tpu.memory_space<vmem>>)
      tpu.yield
    }) : () -> ()
    %barrier3A = arith.constant 0 : index
    tpu.barrier barrier_id(%barrier3A)
    %dma_start3A = arith.constant 0 : i32
    %dma_start3A_7 = tpu.memref_slice %arg7[%dma_start3A] : memref<10000xi32, #tpu.memory_space<vmem>> -> memref<80xi32, #tpu.memory_space<vmem>>
    %dma_start3A_8 = arith.constant 0 : i32
    %dma_start3A_9 = arith.constant 0 : i32
    %dma_start3A_10 = tpu.memref_slice %arg2[%dma_start3A_8, %dma_start3A_9] : memref<10240x128xf32, #tpu.memory_space<hbm>> -> memref<10240x128xf32, #tpu.memory_space<hbm>>
    tpu.enqueue_indirect_dma source(%dma_start3A_10 : memref<10240x128xf32, #tpu.memory_space<hbm>>) target(%arg9 : memref<80x128xf32, #tpu.memory_space<vmem>>) offsets(%dma_start3A_7 : memref<80xi32, #tpu.memory_space<vmem>>) semaphore(%arg12 : memref<!tpu.dma_semaphore, #tpu.memory_space<semaphore_mem>>)
    %scan3A = arith.constant 0 : i32
    %scan3A_11 = arith.constant 0 : i32
    %scan3A_12 = arith.constant 62 : i32
    %scan3A_13 = arith.addi %scan3A_11, %scan3A_12 : i32
    %scan3A_14 = arith.constant 1 : i32
    scf.for %scan3A_40 = %scan3A_11 to %scan3A_13 step %scan3A_14  : i32 {
      %mul3A_41 = arith.constant 2 : i32
      %mul3A_42 = arith.muli %mul3A_41, %scan3A_40 : i32
      %add3A_43 = arith.constant 1 : i32
      %add3A_44 = arith.addi %mul3A_42, %add3A_43 : i32
      %mul3A_45 = arith.constant 80 : i32
      %mul3A_46 = arith.muli %add3A_44, %mul3A_45 : i32
      %dma_start3A_47 = tpu.memref_slice %arg7[%mul3A_46] : memref<10000xi32, #tpu.memory_space<vmem>> -> memref<80xi32, #tpu.memory_space<vmem>>
      %dma_start3A_48 = arith.constant 0 : i32
      %dma_start3A_49 = arith.constant 0 : i32
      %dma_start3A_50 = tpu.memref_slice %arg2[%dma_start3A_48, %dma_start3A_49] : memref<10240x128xf32, #tpu.memory_space<hbm>> -> memref<10240x128xf32, #tpu.memory_space<hbm>>
      tpu.enqueue_indirect_dma source(%dma_start3A_50 : memref<10240x128xf32, #tpu.memory_space<hbm>>) target(%arg10 : memref<80x128xf32, #tpu.memory_space<vmem>>) offsets(%dma_start3A_47 : memref<80xi32, #tpu.memory_space<vmem>>) semaphore(%arg13 : memref<!tpu.dma_semaphore, #tpu.memory_space<semaphore_mem>>)
      %dma_wait3A_51 = arith.constant 0 : i32
      %dma_wait3A_52 = arith.constant 0 : i32
      %dma_wait3A_53 = tpu.memref_slice %arg2[%dma_wait3A_51, %dma_wait3A_52] : memref<10240x128xf32, #tpu.memory_space<hbm>> -> memref<80x128xf32, #tpu.memory_space<hbm>>
      %dma_wait3A_54 = arith.constant 0 : i32
      %dma_wait3A_55 = arith.constant 0 : i32
      %dma_wait3A_56 = tpu.memref_slice %arg2[%dma_wait3A_54, %dma_wait3A_55] : memref<10240x128xf32, #tpu.memory_space<hbm>> -> memref<80x128xf32, #tpu.memory_space<hbm>>
      tpu.wait_dma2 semaphore(%arg12 : memref<!tpu.dma_semaphore, #tpu.memory_space<semaphore_mem>>) src(%dma_wait3A_56 : memref<80x128xf32, #tpu.memory_space<hbm>>) dst(%arg9 : memref<80x128xf32, #tpu.memory_space<vmem>>)
      %dma_start3A_57 = arith.constant 0 : i32
      %dma_start3A_58 = tpu.memref_slice %arg8[%mul3A_42, %dma_start3A_57] : memref<125x80xi32, #tpu.memory_space<vmem>> -> memref<1x80xi32, #tpu.memory_space<vmem>>
      %dma_start3A_59 = tpu.memref_squeeze %dma_start3A_58 : memref<1x80xi32, #tpu.memory_space<vmem>> -> memref<80xi32, #tpu.memory_space<vmem>>
      %dma_start3A_60 = arith.constant 0 : i32
      %dma_start3A_61 = arith.constant 0 : i32
      %dma_start3A_62 = tpu.memref_slice %arg11[%dma_start3A_60, %dma_start3A_61] : memref<10240x128xf32, #tpu.memory_space<vmem_shared>> -> memref<10240x128xf32, #tpu.memory_space<vmem_shared>>
      tpu.enqueue_indirect_dma source(%arg9 : memref<80x128xf32, #tpu.memory_space<vmem>>) target(%dma_start3A_62 : memref<10240x128xf32, #tpu.memory_space<vmem_shared>>) offsets(%dma_start3A_59 : memref<80xi32, #tpu.memory_space<vmem>>) semaphore(%arg14 : memref<!tpu.dma_semaphore, #tpu.memory_space<semaphore_mem>>) {add = true}
      %dma_wait3A_63 = arith.constant 0 : i32
      %dma_wait3A_64 = arith.constant 0 : i32
      %dma_wait3A_65 = tpu.memref_slice %arg2[%dma_wait3A_63, %dma_wait3A_64] : memref<10240x128xf32, #tpu.memory_space<hbm>> -> memref<80x128xf32, #tpu.memory_space<hbm>>
      %dma_wait3A_66 = arith.constant 0 : i32
      %dma_wait3A_67 = arith.constant 0 : i32
      %dma_wait3A_68 = tpu.memref_slice %arg2[%dma_wait3A_66, %dma_wait3A_67] : memref<10240x128xf32, #tpu.memory_space<hbm>> -> memref<80x128xf32, #tpu.memory_space<hbm>>
      tpu.wait_dma2 semaphore(%arg13 : memref<!tpu.dma_semaphore, #tpu.memory_space<semaphore_mem>>) src(%dma_wait3A_68 : memref<80x128xf32, #tpu.memory_space<hbm>>) dst(%arg10 : memref<80x128xf32, #tpu.memory_space<vmem>>)
      %add3A_69 = arith.constant 1 : i32
      %add3A_70 = arith.addi %mul3A_42, %add3A_69 : i32
      %dma_start3A_71 = arith.constant 0 : i32
      %dma_start3A_72 = tpu.memref_slice %arg8[%add3A_70, %dma_start3A_71] : memref<125x80xi32, #tpu.memory_space<vmem>> -> memref<1x80xi32, #tpu.memory_space<vmem>>
      %dma_start3A_73 = tpu.memref_squeeze %dma_start3A_72 : memref<1x80xi32, #tpu.memory_space<vmem>> -> memref<80xi32, #tpu.memory_space<vmem>>
      %dma_start3A_74 = arith.constant 0 : i32
      %dma_start3A_75 = arith.constant 0 : i32
      %dma_start3A_76 = tpu.memref_slice %arg11[%dma_start3A_74, %dma_start3A_75] : memref<10240x128xf32, #tpu.memory_space<vmem_shared>> -> memref<10240x128xf32, #tpu.memory_space<vmem_shared>>
      tpu.enqueue_indirect_dma source(%arg10 : memref<80x128xf32, #tpu.memory_space<vmem>>) target(%dma_start3A_76 : memref<10240x128xf32, #tpu.memory_space<vmem_shared>>) offsets(%dma_start3A_73 : memref<80xi32, #tpu.memory_space<vmem>>) semaphore(%arg15 : memref<!tpu.dma_semaphore, #tpu.memory_space<semaphore_mem>>) {add = true}
      %dma_wait3A_77 = arith.constant 0 : i32
      %dma_wait3A_78 = tpu.memref_slice %arg8[%mul3A_42, %dma_wait3A_77] : memref<125x80xi32, #tpu.memory_space<vmem>> -> memref<1x80xi32, #tpu.memory_space<vmem>>
      %dma_wait3A_79 = tpu.memref_squeeze %dma_wait3A_78 : memref<1x80xi32, #tpu.memory_space<vmem>> -> memref<80xi32, #tpu.memory_space<vmem>>
      %dma_wait3A_80 = arith.constant 0 : i32
      %dma_wait3A_81 = arith.constant 0 : i32
      %dma_wait3A_82 = tpu.memref_slice %arg11[%dma_wait3A_80, %dma_wait3A_81] : memref<10240x128xf32, #tpu.memory_space<vmem_shared>> -> memref<10240x128xf32, #tpu.memory_space<vmem_shared>>
      tpu.wait_indirect_dma semaphore(%arg14 : memref<!tpu.dma_semaphore, #tpu.memory_space<semaphore_mem>>) src(%arg9 : memref<80x128xf32, #tpu.memory_space<vmem>>) dst(%dma_wait3A_82 : memref<10240x128xf32, #tpu.memory_space<vmem_shared>>)
      %add3A_83 = arith.constant 2 : i32
      %add3A_84 = arith.addi %mul3A_42, %add3A_83 : i32
      %mul3A_85 = arith.constant 80 : i32
      %mul3A_86 = arith.muli %add3A_84, %mul3A_85 : i32
      %dma_start3A_87 = tpu.memref_slice %arg7[%mul3A_86] : memref<10000xi32, #tpu.memory_space<vmem>> -> memref<80xi32, #tpu.memory_space<vmem>>
      %dma_start3A_88 = arith.constant 0 : i32
      %dma_start3A_89 = arith.constant 0 : i32
      %dma_start3A_90 = tpu.memref_slice %arg2[%dma_start3A_88, %dma_start3A_89] : memref<10240x128xf32, #tpu.memory_space<hbm>> -> memref<10240x128xf32, #tpu.memory_space<hbm>>
      tpu.enqueue_indirect_dma source(%dma_start3A_90 : memref<10240x128xf32, #tpu.memory_space<hbm>>) target(%arg9 : memref<80x128xf32, #tpu.memory_space<vmem>>) offsets(%dma_start3A_87 : memref<80xi32, #tpu.memory_space<vmem>>) semaphore(%arg12 : memref<!tpu.dma_semaphore, #tpu.memory_space<semaphore_mem>>)
      %add3A_91 = arith.constant 1 : i32
      %add3A_92 = arith.addi %mul3A_42, %add3A_91 : i32
      %dma_wait3A_93 = arith.constant 0 : i32
      %dma_wait3A_94 = tpu.memref_slice %arg8[%add3A_92, %dma_wait3A_93] : memref<125x80xi32, #tpu.memory_space<vmem>> -> memref<1x80xi32, #tpu.memory_space<vmem>>
      %dma_wait3A_95 = tpu.memref_squeeze %dma_wait3A_94 : memref<1x80xi32, #tpu.memory_space<vmem>> -> memref<80xi32, #tpu.memory_space<vmem>>
      %dma_wait3A_96 = arith.constant 0 : i32
      %dma_wait3A_97 = arith.constant 0 : i32
      %dma_wait3A_98 = tpu.memref_slice %arg11[%dma_wait3A_96, %dma_wait3A_97] : memref<10240x128xf32, #tpu.memory_space<vmem_shared>> -> memref<10240x128xf32, #tpu.memory_space<vmem_shared>>
      tpu.wait_indirect_dma semaphore(%arg15 : memref<!tpu.dma_semaphore, #tpu.memory_space<semaphore_mem>>) src(%arg10 : memref<80x128xf32, #tpu.memory_space<vmem>>) dst(%dma_wait3A_98 : memref<10240x128xf32, #tpu.memory_space<vmem_shared>>)
    }
    %scan3A_15 = arith.constant 62 : i32
    %dma_wait3A = arith.constant 0 : i32
    %dma_wait3A_16 = arith.constant 0 : i32
    %dma_wait3A_17 = tpu.memref_slice %arg2[%dma_wait3A, %dma_wait3A_16] : memref<10240x128xf32, #tpu.memory_space<hbm>> -> memref<80x128xf32, #tpu.memory_space<hbm>>
    %dma_wait3A_18 = arith.constant 0 : i32
    %dma_wait3A_19 = arith.constant 0 : i32
    %dma_wait3A_20 = tpu.memref_slice %arg2[%dma_wait3A_18, %dma_wait3A_19] : memref<10240x128xf32, #tpu.memory_space<hbm>> -> memref<80x128xf32, #tpu.memory_space<hbm>>
    tpu.wait_dma2 semaphore(%arg12 : memref<!tpu.dma_semaphore, #tpu.memory_space<semaphore_mem>>) src(%dma_wait3A_20 : memref<80x128xf32, #tpu.memory_space<hbm>>) dst(%arg9 : memref<80x128xf32, #tpu.memory_space<vmem>>)
    %dma_start3A_21 = arith.constant 124 : i32
    %dma_start3A_22 = arith.constant 0 : i32
    %dma_start3A_23 = tpu.memref_slice %arg8[%dma_start3A_21, %dma_start3A_22] : memref<125x80xi32, #tpu.memory_space<vmem>> -> memref<1x80xi32, #tpu.memory_space<vmem>>
    %dma_start3A_24 = tpu.memref_squeeze %dma_start3A_23 : memref<1x80xi32, #tpu.memory_space<vmem>> -> memref<80xi32, #tpu.memory_space<vmem>>
    %dma_start3A_25 = arith.constant 0 : i32
    %dma_start3A_26 = arith.constant 0 : i32
    %dma_start3A_27 = tpu.memref_slice %arg11[%dma_start3A_25, %dma_start3A_26] : memref<10240x128xf32, #tpu.memory_space<vmem_shared>> -> memref<10240x128xf32, #tpu.memory_space<vmem_shared>>
    tpu.enqueue_indirect_dma source(%arg9 : memref<80x128xf32, #tpu.memory_space<vmem>>) target(%dma_start3A_27 : memref<10240x128xf32, #tpu.memory_space<vmem_shared>>) offsets(%dma_start3A_24 : memref<80xi32, #tpu.memory_space<vmem>>) semaphore(%arg14 : memref<!tpu.dma_semaphore, #tpu.memory_space<semaphore_mem>>) {add = true}
    %dma_wait3A_28 = arith.constant 124 : i32
    %dma_wait3A_29 = arith.constant 0 : i32
    %dma_wait3A_30 = tpu.memref_slice %arg8[%dma_wait3A_28, %dma_wait3A_29] : memref<125x80xi32, #tpu.memory_space<vmem>> -> memref<1x80xi32, #tpu.memory_space<vmem>>
    %dma_wait3A_31 = tpu.memref_squeeze %dma_wait3A_30 : memref<1x80xi32, #tpu.memory_space<vmem>> -> memref<80xi32, #tpu.memory_space<vmem>>
    %dma_wait3A_32 = arith.constant 0 : i32
    %dma_wait3A_33 = arith.constant 0 : i32
    %dma_wait3A_34 = tpu.memref_slice %arg11[%dma_wait3A_32, %dma_wait3A_33] : memref<10240x128xf32, #tpu.memory_space<vmem_shared>> -> memref<10240x128xf32, #tpu.memory_space<vmem_shared>>
    tpu.wait_indirect_dma semaphore(%arg14 : memref<!tpu.dma_semaphore, #tpu.memory_space<semaphore_mem>>) src(%arg9 : memref<80x128xf32, #tpu.memory_space<vmem>>) dst(%dma_wait3A_34 : memref<10240x128xf32, #tpu.memory_space<vmem_shared>>)
    %barrier3A_35 = arith.constant 0 : index
    tpu.barrier barrier_id(%barrier3A_35)
    %mul3A_36 = arith.constant 640 : i32
    %mul3A_37 = arith.muli %arg1, %mul3A_36 : i32
    %mul3A_38 = arith.constant 640 : i32
    %mul3A_39 = arith.muli %arg1, %mul3A_38 : i32
    "tpu.region"() ({
      %run_scoped3A = tpu.sem_alloc : memref<!tpu.dma_semaphore, #tpu.memory_space<semaphore_mem>>
      %dma_start3A_40 = arith.constant 0 : i32
      %dma_start3A_41 = tpu.memref_slice %arg6[%arg0, %mul3A_39, %dma_start3A_40] : memref<2x10240x128xf32, #tpu.memory_space<hbm>> -> memref<1x640x128xf32, #tpu.memory_space<hbm>>
      %dma_start3A_42 = tpu.memref_squeeze %dma_start3A_41 : memref<1x640x128xf32, #tpu.memory_space<hbm>> -> memref<640x128xf32, #tpu.memory_space<hbm>>
      %dma_start3A_43 = arith.constant 0 : i32
      %dma_start3A_44 = tpu.memref_slice %arg11[%mul3A_37, %dma_start3A_43] : memref<10240x128xf32, #tpu.memory_space<vmem_shared>> -> memref<640x128xf32, #tpu.memory_space<vmem_shared>>
      tpu.enqueue_dma source(%dma_start3A_44 : memref<640x128xf32, #tpu.memory_space<vmem_shared>>) target(%dma_start3A_42 : memref<640x128xf32, #tpu.memory_space<hbm>>) target_semaphore(%run_scoped3A : memref<!tpu.dma_semaphore, #tpu.memory_space<semaphore_mem>>)
      %dma_wait3A_45 = arith.constant 0 : i32
      %dma_wait3A_46 = tpu.memref_slice %arg6[%arg0, %mul3A_39, %dma_wait3A_45] : memref<2x10240x128xf32, #tpu.memory_space<hbm>> -> memref<1x640x128xf32, #tpu.memory_space<hbm>>
      %dma_wait3A_47 = tpu.memref_squeeze %dma_wait3A_46 : memref<1x640x128xf32, #tpu.memory_space<hbm>> -> memref<640x128xf32, #tpu.memory_space<hbm>>
      %dma_wait3A_48 = arith.constant 0 : i32
      %dma_wait3A_49 = tpu.memref_slice %arg11[%mul3A_37, %dma_wait3A_48] : memref<10240x128xf32, #tpu.memory_space<vmem_shared>> -> memref<640x128xf32, #tpu.memory_space<vmem_shared>>
      tpu.wait_dma2 semaphore(%run_scoped3A : memref<!tpu.dma_semaphore, #tpu.memory_space<semaphore_mem>>) src(%dma_wait3A_49 : memref<640x128xf32, #tpu.memory_space<vmem_shared>>) dst(%dma_wait3A_47 : memref<640x128xf32, #tpu.memory_space<hbm>>)
      tpu.yield
    }) : () -> ()
    return
  }
}

#map = affine_map<(d0, d1) -> (0, 0)>
#map1 = affine_map<(d0, d1) -> (0)>
#map2 = affine_map<(d0, d1) -> (0, 0, 0)>
module attributes {stable_mosaic.version = 14 : i64} {
  func.func @_sc_agg_body(%arg0: i32, %arg1: i32, %arg2: memref<10000x128xf32, #tpu.memory_space<hbm>>, %arg3: memref<320000xi32, #tpu.memory_space<hbm>>, %arg4: memref<32x125x80xi32, #tpu.memory_space<hbm>>, %arg5: memref<10240x128xf32, #tpu.memory_space<hbm>>, %arg6: memref<2x10240x128xf32, #tpu.memory_space<hbm>>, %arg7: memref<10000xi32, #tpu.memory_space<vmem>>, %arg8: memref<125x80xi32, #tpu.memory_space<vmem>>, %arg9: memref<80x128xf32, #tpu.memory_space<vmem>>, %arg10: memref<80x128xf32, #tpu.memory_space<vmem>>, %arg11: memref<10240x128xf32, #tpu.memory_space<vmem_shared>>, %arg12: memref<!tpu.dma_semaphore, #tpu.memory_space<semaphore_mem>>, %arg13: memref<!tpu.dma_semaphore, #tpu.memory_space<semaphore_mem>>, %arg14: memref<!tpu.dma_semaphore, #tpu.memory_space<semaphore_mem>>, %arg15: memref<!tpu.dma_semaphore, #tpu.memory_space<semaphore_mem>>) attributes {dimension_semantics = [#tpu.dimension_semantics<core_parallel>, #tpu.dimension_semantics<subcore_parallel>], iteration_bounds = array<i64: 2, 16>, scalar_prefetch = 0 : i64, scratch_operands = 9 : i64, tpu.core_type = #tpu.core_type<sc_vector_subcore>, window_params = [{transform_indices = #map}, {transform_indices = #map1}, {transform_indices = #map2}, {transform_indices = #map}, {transform_indices = #map2}]} {
    %mul3A = arith.constant 2 : i32
    %mul3A_0 = arith.muli %arg1, %mul3A : i32
    %add3A = arith.addi %mul3A_0, %arg0 : i32
    %mul3A_1 = arith.constant 640 : i32
    %mul3A_2 = arith.muli %arg1, %mul3A_1 : i32
    %mul3A_3 = arith.constant 640 : i32
    %mul3A_4 = arith.muli %arg1, %mul3A_3 : i32
    "tpu.region"() ({
      %run_scoped3A = tpu.sem_alloc : memref<!tpu.dma_semaphore, #tpu.memory_space<semaphore_mem>>
      %dma_start3A_40 = arith.constant 0 : i32
      %dma_start3A_41 = tpu.memref_slice %arg11[%mul3A_4, %dma_start3A_40] : memref<10240x128xf32, #tpu.memory_space<vmem_shared>> -> memref<640x128xf32, #tpu.memory_space<vmem_shared>>
      %dma_start3A_42 = arith.constant 0 : i32
      %dma_start3A_43 = tpu.memref_slice %arg5[%mul3A_2, %dma_start3A_42] : memref<10240x128xf32, #tpu.memory_space<hbm>> -> memref<640x128xf32, #tpu.memory_space<hbm>>
      tpu.enqueue_dma source(%dma_start3A_43 : memref<640x128xf32, #tpu.memory_space<hbm>>) target(%dma_start3A_41 : memref<640x128xf32, #tpu.memory_space<vmem_shared>>) target_semaphore(%run_scoped3A : memref<!tpu.dma_semaphore, #tpu.memory_space<semaphore_mem>>)
      %dma_wait3A_44 = arith.constant 0 : i32
      %dma_wait3A_45 = tpu.memref_slice %arg11[%mul3A_4, %dma_wait3A_44] : memref<10240x128xf32, #tpu.memory_space<vmem_shared>> -> memref<640x128xf32, #tpu.memory_space<vmem_shared>>
      %dma_wait3A_46 = arith.constant 0 : i32
      %dma_wait3A_47 = tpu.memref_slice %arg5[%mul3A_2, %dma_wait3A_46] : memref<10240x128xf32, #tpu.memory_space<hbm>> -> memref<640x128xf32, #tpu.memory_space<hbm>>
      tpu.wait_dma2 semaphore(%run_scoped3A : memref<!tpu.dma_semaphore, #tpu.memory_space<semaphore_mem>>) src(%dma_wait3A_47 : memref<640x128xf32, #tpu.memory_space<hbm>>) dst(%dma_wait3A_45 : memref<640x128xf32, #tpu.memory_space<vmem_shared>>)
      tpu.yield
    }) : () -> ()
    %mul3A_5 = arith.constant 10000 : i32
    %mul3A_6 = arith.muli %add3A, %mul3A_5 : i32
    "tpu.region"() ({
      %run_scoped3A = tpu.sem_alloc : memref<!tpu.dma_semaphore, #tpu.memory_space<semaphore_mem>>
      %dma_start3A_40 = tpu.memref_slice %arg3[%mul3A_6] : memref<320000xi32, #tpu.memory_space<hbm>> -> memref<10000xi32, #tpu.memory_space<hbm>>
      %dma_start3A_41 = tpu.memref_slice %arg3[%mul3A_6] : memref<320000xi32, #tpu.memory_space<hbm>> -> memref<10000xi32, #tpu.memory_space<hbm>>
      tpu.enqueue_dma source(%dma_start3A_41 : memref<10000xi32, #tpu.memory_space<hbm>>) target(%arg7 : memref<10000xi32, #tpu.memory_space<vmem>>) target_semaphore(%run_scoped3A : memref<!tpu.dma_semaphore, #tpu.memory_space<semaphore_mem>>)
      %dma_wait3A_42 = tpu.memref_slice %arg3[%mul3A_6] : memref<320000xi32, #tpu.memory_space<hbm>> -> memref<10000xi32, #tpu.memory_space<hbm>>
      %dma_wait3A_43 = tpu.memref_slice %arg3[%mul3A_6] : memref<320000xi32, #tpu.memory_space<hbm>> -> memref<10000xi32, #tpu.memory_space<hbm>>
      tpu.wait_dma2 semaphore(%run_scoped3A : memref<!tpu.dma_semaphore, #tpu.memory_space<semaphore_mem>>) src(%dma_wait3A_43 : memref<10000xi32, #tpu.memory_space<hbm>>) dst(%arg7 : memref<10000xi32, #tpu.memory_space<vmem>>)
      tpu.yield
    }) : () -> ()
    "tpu.region"() ({
      %run_scoped3A = tpu.sem_alloc : memref<!tpu.dma_semaphore, #tpu.memory_space<semaphore_mem>>
      %dma_start3A_40 = arith.constant 0 : i32
      %dma_start3A_41 = arith.constant 0 : i32
      %dma_start3A_42 = tpu.memref_slice %arg4[%add3A, %dma_start3A_40, %dma_start3A_41] : memref<32x125x80xi32, #tpu.memory_space<hbm>> -> memref<1x125x80xi32, #tpu.memory_space<hbm>>
      %dma_start3A_43 = tpu.memref_squeeze %dma_start3A_42 : memref<1x125x80xi32, #tpu.memory_space<hbm>> -> memref<125x80xi32, #tpu.memory_space<hbm>>
      %dma_start3A_44 = arith.constant 0 : i32
      %dma_start3A_45 = arith.constant 0 : i32
      %dma_start3A_46 = tpu.memref_slice %arg4[%add3A, %dma_start3A_44, %dma_start3A_45] : memref<32x125x80xi32, #tpu.memory_space<hbm>> -> memref<1x125x80xi32, #tpu.memory_space<hbm>>
      %dma_start3A_47 = tpu.memref_squeeze %dma_start3A_46 : memref<1x125x80xi32, #tpu.memory_space<hbm>> -> memref<125x80xi32, #tpu.memory_space<hbm>>
      tpu.enqueue_dma source(%dma_start3A_47 : memref<125x80xi32, #tpu.memory_space<hbm>>) target(%arg8 : memref<125x80xi32, #tpu.memory_space<vmem>>) target_semaphore(%run_scoped3A : memref<!tpu.dma_semaphore, #tpu.memory_space<semaphore_mem>>)
      %dma_wait3A_48 = arith.constant 0 : i32
      %dma_wait3A_49 = arith.constant 0 : i32
      %dma_wait3A_50 = tpu.memref_slice %arg4[%add3A, %dma_wait3A_48, %dma_wait3A_49] : memref<32x125x80xi32, #tpu.memory_space<hbm>> -> memref<1x125x80xi32, #tpu.memory_space<hbm>>
      %dma_wait3A_51 = tpu.memref_squeeze %dma_wait3A_50 : memref<1x125x80xi32, #tpu.memory_space<hbm>> -> memref<125x80xi32, #tpu.memory_space<hbm>>
      %dma_wait3A_52 = arith.constant 0 : i32
      %dma_wait3A_53 = arith.constant 0 : i32
      %dma_wait3A_54 = tpu.memref_slice %arg4[%add3A, %dma_wait3A_52, %dma_wait3A_53] : memref<32x125x80xi32, #tpu.memory_space<hbm>> -> memref<1x125x80xi32, #tpu.memory_space<hbm>>
      %dma_wait3A_55 = tpu.memref_squeeze %dma_wait3A_54 : memref<1x125x80xi32, #tpu.memory_space<hbm>> -> memref<125x80xi32, #tpu.memory_space<hbm>>
      tpu.wait_dma2 semaphore(%run_scoped3A : memref<!tpu.dma_semaphore, #tpu.memory_space<semaphore_mem>>) src(%dma_wait3A_55 : memref<125x80xi32, #tpu.memory_space<hbm>>) dst(%arg8 : memref<125x80xi32, #tpu.memory_space<vmem>>)
      tpu.yield
    }) : () -> ()
    %barrier3A = arith.constant 0 : index
    tpu.barrier barrier_id(%barrier3A)
    %dma_start3A = arith.constant 0 : i32
    %dma_start3A_7 = tpu.memref_slice %arg7[%dma_start3A] : memref<10000xi32, #tpu.memory_space<vmem>> -> memref<80xi32, #tpu.memory_space<vmem>>
    %dma_start3A_8 = arith.constant 0 : i32
    %dma_start3A_9 = arith.constant 0 : i32
    %dma_start3A_10 = tpu.memref_slice %arg2[%dma_start3A_8, %dma_start3A_9] : memref<10000x128xf32, #tpu.memory_space<hbm>> -> memref<10000x128xf32, #tpu.memory_space<hbm>>
    tpu.enqueue_indirect_dma source(%dma_start3A_10 : memref<10000x128xf32, #tpu.memory_space<hbm>>) target(%arg9 : memref<80x128xf32, #tpu.memory_space<vmem>>) offsets(%dma_start3A_7 : memref<80xi32, #tpu.memory_space<vmem>>) semaphore(%arg12 : memref<!tpu.dma_semaphore, #tpu.memory_space<semaphore_mem>>)
    %scan3A = arith.constant 0 : i32
    %scan3A_11 = arith.constant 0 : i32
    %scan3A_12 = arith.constant 62 : i32
    %scan3A_13 = arith.addi %scan3A_11, %scan3A_12 : i32
    %scan3A_14 = arith.constant 1 : i32
    scf.for %scan3A_40 = %scan3A_11 to %scan3A_13 step %scan3A_14  : i32 {
      %mul3A_41 = arith.constant 2 : i32
      %mul3A_42 = arith.muli %mul3A_41, %scan3A_40 : i32
      %add3A_43 = arith.constant 1 : i32
      %add3A_44 = arith.addi %mul3A_42, %add3A_43 : i32
      %mul3A_45 = arith.constant 80 : i32
      %mul3A_46 = arith.muli %add3A_44, %mul3A_45 : i32
      %dma_start3A_47 = tpu.memref_slice %arg7[%mul3A_46] : memref<10000xi32, #tpu.memory_space<vmem>> -> memref<80xi32, #tpu.memory_space<vmem>>
      %dma_start3A_48 = arith.constant 0 : i32
      %dma_start3A_49 = arith.constant 0 : i32
      %dma_start3A_50 = tpu.memref_slice %arg2[%dma_start3A_48, %dma_start3A_49] : memref<10000x128xf32, #tpu.memory_space<hbm>> -> memref<10000x128xf32, #tpu.memory_space<hbm>>
      tpu.enqueue_indirect_dma source(%dma_start3A_50 : memref<10000x128xf32, #tpu.memory_space<hbm>>) target(%arg10 : memref<80x128xf32, #tpu.memory_space<vmem>>) offsets(%dma_start3A_47 : memref<80xi32, #tpu.memory_space<vmem>>) semaphore(%arg13 : memref<!tpu.dma_semaphore, #tpu.memory_space<semaphore_mem>>)
      %dma_wait3A_51 = arith.constant 0 : i32
      %dma_wait3A_52 = arith.constant 0 : i32
      %dma_wait3A_53 = tpu.memref_slice %arg2[%dma_wait3A_51, %dma_wait3A_52] : memref<10000x128xf32, #tpu.memory_space<hbm>> -> memref<80x128xf32, #tpu.memory_space<hbm>>
      %dma_wait3A_54 = arith.constant 0 : i32
      %dma_wait3A_55 = arith.constant 0 : i32
      %dma_wait3A_56 = tpu.memref_slice %arg2[%dma_wait3A_54, %dma_wait3A_55] : memref<10000x128xf32, #tpu.memory_space<hbm>> -> memref<80x128xf32, #tpu.memory_space<hbm>>
      tpu.wait_dma2 semaphore(%arg12 : memref<!tpu.dma_semaphore, #tpu.memory_space<semaphore_mem>>) src(%dma_wait3A_56 : memref<80x128xf32, #tpu.memory_space<hbm>>) dst(%arg9 : memref<80x128xf32, #tpu.memory_space<vmem>>)
      %dma_start3A_57 = arith.constant 0 : i32
      %dma_start3A_58 = tpu.memref_slice %arg8[%mul3A_42, %dma_start3A_57] : memref<125x80xi32, #tpu.memory_space<vmem>> -> memref<1x80xi32, #tpu.memory_space<vmem>>
      %dma_start3A_59 = tpu.memref_squeeze %dma_start3A_58 : memref<1x80xi32, #tpu.memory_space<vmem>> -> memref<80xi32, #tpu.memory_space<vmem>>
      %dma_start3A_60 = arith.constant 0 : i32
      %dma_start3A_61 = arith.constant 0 : i32
      %dma_start3A_62 = tpu.memref_slice %arg11[%dma_start3A_60, %dma_start3A_61] : memref<10240x128xf32, #tpu.memory_space<vmem_shared>> -> memref<10240x128xf32, #tpu.memory_space<vmem_shared>>
      tpu.enqueue_indirect_dma source(%arg9 : memref<80x128xf32, #tpu.memory_space<vmem>>) target(%dma_start3A_62 : memref<10240x128xf32, #tpu.memory_space<vmem_shared>>) offsets(%dma_start3A_59 : memref<80xi32, #tpu.memory_space<vmem>>) semaphore(%arg14 : memref<!tpu.dma_semaphore, #tpu.memory_space<semaphore_mem>>) {add = true}
      %dma_wait3A_63 = arith.constant 0 : i32
      %dma_wait3A_64 = arith.constant 0 : i32
      %dma_wait3A_65 = tpu.memref_slice %arg2[%dma_wait3A_63, %dma_wait3A_64] : memref<10000x128xf32, #tpu.memory_space<hbm>> -> memref<80x128xf32, #tpu.memory_space<hbm>>
      %dma_wait3A_66 = arith.constant 0 : i32
      %dma_wait3A_67 = arith.constant 0 : i32
      %dma_wait3A_68 = tpu.memref_slice %arg2[%dma_wait3A_66, %dma_wait3A_67] : memref<10000x128xf32, #tpu.memory_space<hbm>> -> memref<80x128xf32, #tpu.memory_space<hbm>>
      tpu.wait_dma2 semaphore(%arg13 : memref<!tpu.dma_semaphore, #tpu.memory_space<semaphore_mem>>) src(%dma_wait3A_68 : memref<80x128xf32, #tpu.memory_space<hbm>>) dst(%arg10 : memref<80x128xf32, #tpu.memory_space<vmem>>)
      %add3A_69 = arith.constant 1 : i32
      %add3A_70 = arith.addi %mul3A_42, %add3A_69 : i32
      %dma_start3A_71 = arith.constant 0 : i32
      %dma_start3A_72 = tpu.memref_slice %arg8[%add3A_70, %dma_start3A_71] : memref<125x80xi32, #tpu.memory_space<vmem>> -> memref<1x80xi32, #tpu.memory_space<vmem>>
      %dma_start3A_73 = tpu.memref_squeeze %dma_start3A_72 : memref<1x80xi32, #tpu.memory_space<vmem>> -> memref<80xi32, #tpu.memory_space<vmem>>
      %dma_start3A_74 = arith.constant 0 : i32
      %dma_start3A_75 = arith.constant 0 : i32
      %dma_start3A_76 = tpu.memref_slice %arg11[%dma_start3A_74, %dma_start3A_75] : memref<10240x128xf32, #tpu.memory_space<vmem_shared>> -> memref<10240x128xf32, #tpu.memory_space<vmem_shared>>
      tpu.enqueue_indirect_dma source(%arg10 : memref<80x128xf32, #tpu.memory_space<vmem>>) target(%dma_start3A_76 : memref<10240x128xf32, #tpu.memory_space<vmem_shared>>) offsets(%dma_start3A_73 : memref<80xi32, #tpu.memory_space<vmem>>) semaphore(%arg15 : memref<!tpu.dma_semaphore, #tpu.memory_space<semaphore_mem>>) {add = true}
      %dma_wait3A_77 = arith.constant 0 : i32
      %dma_wait3A_78 = tpu.memref_slice %arg8[%mul3A_42, %dma_wait3A_77] : memref<125x80xi32, #tpu.memory_space<vmem>> -> memref<1x80xi32, #tpu.memory_space<vmem>>
      %dma_wait3A_79 = tpu.memref_squeeze %dma_wait3A_78 : memref<1x80xi32, #tpu.memory_space<vmem>> -> memref<80xi32, #tpu.memory_space<vmem>>
      %dma_wait3A_80 = arith.constant 0 : i32
      %dma_wait3A_81 = arith.constant 0 : i32
      %dma_wait3A_82 = tpu.memref_slice %arg11[%dma_wait3A_80, %dma_wait3A_81] : memref<10240x128xf32, #tpu.memory_space<vmem_shared>> -> memref<10240x128xf32, #tpu.memory_space<vmem_shared>>
      tpu.wait_indirect_dma semaphore(%arg14 : memref<!tpu.dma_semaphore, #tpu.memory_space<semaphore_mem>>) src(%arg9 : memref<80x128xf32, #tpu.memory_space<vmem>>) dst(%dma_wait3A_82 : memref<10240x128xf32, #tpu.memory_space<vmem_shared>>)
      %add3A_83 = arith.constant 2 : i32
      %add3A_84 = arith.addi %mul3A_42, %add3A_83 : i32
      %mul3A_85 = arith.constant 80 : i32
      %mul3A_86 = arith.muli %add3A_84, %mul3A_85 : i32
      %dma_start3A_87 = tpu.memref_slice %arg7[%mul3A_86] : memref<10000xi32, #tpu.memory_space<vmem>> -> memref<80xi32, #tpu.memory_space<vmem>>
      %dma_start3A_88 = arith.constant 0 : i32
      %dma_start3A_89 = arith.constant 0 : i32
      %dma_start3A_90 = tpu.memref_slice %arg2[%dma_start3A_88, %dma_start3A_89] : memref<10000x128xf32, #tpu.memory_space<hbm>> -> memref<10000x128xf32, #tpu.memory_space<hbm>>
      tpu.enqueue_indirect_dma source(%dma_start3A_90 : memref<10000x128xf32, #tpu.memory_space<hbm>>) target(%arg9 : memref<80x128xf32, #tpu.memory_space<vmem>>) offsets(%dma_start3A_87 : memref<80xi32, #tpu.memory_space<vmem>>) semaphore(%arg12 : memref<!tpu.dma_semaphore, #tpu.memory_space<semaphore_mem>>)
      %add3A_91 = arith.constant 1 : i32
      %add3A_92 = arith.addi %mul3A_42, %add3A_91 : i32
      %dma_wait3A_93 = arith.constant 0 : i32
      %dma_wait3A_94 = tpu.memref_slice %arg8[%add3A_92, %dma_wait3A_93] : memref<125x80xi32, #tpu.memory_space<vmem>> -> memref<1x80xi32, #tpu.memory_space<vmem>>
      %dma_wait3A_95 = tpu.memref_squeeze %dma_wait3A_94 : memref<1x80xi32, #tpu.memory_space<vmem>> -> memref<80xi32, #tpu.memory_space<vmem>>
      %dma_wait3A_96 = arith.constant 0 : i32
      %dma_wait3A_97 = arith.constant 0 : i32
      %dma_wait3A_98 = tpu.memref_slice %arg11[%dma_wait3A_96, %dma_wait3A_97] : memref<10240x128xf32, #tpu.memory_space<vmem_shared>> -> memref<10240x128xf32, #tpu.memory_space<vmem_shared>>
      tpu.wait_indirect_dma semaphore(%arg15 : memref<!tpu.dma_semaphore, #tpu.memory_space<semaphore_mem>>) src(%arg10 : memref<80x128xf32, #tpu.memory_space<vmem>>) dst(%dma_wait3A_98 : memref<10240x128xf32, #tpu.memory_space<vmem_shared>>)
    }
    %scan3A_15 = arith.constant 62 : i32
    %dma_wait3A = arith.constant 0 : i32
    %dma_wait3A_16 = arith.constant 0 : i32
    %dma_wait3A_17 = tpu.memref_slice %arg2[%dma_wait3A, %dma_wait3A_16] : memref<10000x128xf32, #tpu.memory_space<hbm>> -> memref<80x128xf32, #tpu.memory_space<hbm>>
    %dma_wait3A_18 = arith.constant 0 : i32
    %dma_wait3A_19 = arith.constant 0 : i32
    %dma_wait3A_20 = tpu.memref_slice %arg2[%dma_wait3A_18, %dma_wait3A_19] : memref<10000x128xf32, #tpu.memory_space<hbm>> -> memref<80x128xf32, #tpu.memory_space<hbm>>
    tpu.wait_dma2 semaphore(%arg12 : memref<!tpu.dma_semaphore, #tpu.memory_space<semaphore_mem>>) src(%dma_wait3A_20 : memref<80x128xf32, #tpu.memory_space<hbm>>) dst(%arg9 : memref<80x128xf32, #tpu.memory_space<vmem>>)
    %dma_start3A_21 = arith.constant 124 : i32
    %dma_start3A_22 = arith.constant 0 : i32
    %dma_start3A_23 = tpu.memref_slice %arg8[%dma_start3A_21, %dma_start3A_22] : memref<125x80xi32, #tpu.memory_space<vmem>> -> memref<1x80xi32, #tpu.memory_space<vmem>>
    %dma_start3A_24 = tpu.memref_squeeze %dma_start3A_23 : memref<1x80xi32, #tpu.memory_space<vmem>> -> memref<80xi32, #tpu.memory_space<vmem>>
    %dma_start3A_25 = arith.constant 0 : i32
    %dma_start3A_26 = arith.constant 0 : i32
    %dma_start3A_27 = tpu.memref_slice %arg11[%dma_start3A_25, %dma_start3A_26] : memref<10240x128xf32, #tpu.memory_space<vmem_shared>> -> memref<10240x128xf32, #tpu.memory_space<vmem_shared>>
    tpu.enqueue_indirect_dma source(%arg9 : memref<80x128xf32, #tpu.memory_space<vmem>>) target(%dma_start3A_27 : memref<10240x128xf32, #tpu.memory_space<vmem_shared>>) offsets(%dma_start3A_24 : memref<80xi32, #tpu.memory_space<vmem>>) semaphore(%arg14 : memref<!tpu.dma_semaphore, #tpu.memory_space<semaphore_mem>>) {add = true}
    %dma_wait3A_28 = arith.constant 124 : i32
    %dma_wait3A_29 = arith.constant 0 : i32
    %dma_wait3A_30 = tpu.memref_slice %arg8[%dma_wait3A_28, %dma_wait3A_29] : memref<125x80xi32, #tpu.memory_space<vmem>> -> memref<1x80xi32, #tpu.memory_space<vmem>>
    %dma_wait3A_31 = tpu.memref_squeeze %dma_wait3A_30 : memref<1x80xi32, #tpu.memory_space<vmem>> -> memref<80xi32, #tpu.memory_space<vmem>>
    %dma_wait3A_32 = arith.constant 0 : i32
    %dma_wait3A_33 = arith.constant 0 : i32
    %dma_wait3A_34 = tpu.memref_slice %arg11[%dma_wait3A_32, %dma_wait3A_33] : memref<10240x128xf32, #tpu.memory_space<vmem_shared>> -> memref<10240x128xf32, #tpu.memory_space<vmem_shared>>
    tpu.wait_indirect_dma semaphore(%arg14 : memref<!tpu.dma_semaphore, #tpu.memory_space<semaphore_mem>>) src(%arg9 : memref<80x128xf32, #tpu.memory_space<vmem>>) dst(%dma_wait3A_34 : memref<10240x128xf32, #tpu.memory_space<vmem_shared>>)
    %barrier3A_35 = arith.constant 0 : index
    tpu.barrier barrier_id(%barrier3A_35)
    %mul3A_36 = arith.constant 640 : i32
    %mul3A_37 = arith.muli %arg1, %mul3A_36 : i32
    %mul3A_38 = arith.constant 640 : i32
    %mul3A_39 = arith.muli %arg1, %mul3A_38 : i32
    "tpu.region"() ({
      %run_scoped3A = tpu.sem_alloc : memref<!tpu.dma_semaphore, #tpu.memory_space<semaphore_mem>>
      %dma_start3A_40 = arith.constant 0 : i32
      %dma_start3A_41 = tpu.memref_slice %arg6[%arg0, %mul3A_39, %dma_start3A_40] : memref<2x10240x128xf32, #tpu.memory_space<hbm>> -> memref<1x640x128xf32, #tpu.memory_space<hbm>>
      %dma_start3A_42 = tpu.memref_squeeze %dma_start3A_41 : memref<1x640x128xf32, #tpu.memory_space<hbm>> -> memref<640x128xf32, #tpu.memory_space<hbm>>
      %dma_start3A_43 = arith.constant 0 : i32
      %dma_start3A_44 = tpu.memref_slice %arg11[%mul3A_37, %dma_start3A_43] : memref<10240x128xf32, #tpu.memory_space<vmem_shared>> -> memref<640x128xf32, #tpu.memory_space<vmem_shared>>
      tpu.enqueue_dma source(%dma_start3A_44 : memref<640x128xf32, #tpu.memory_space<vmem_shared>>) target(%dma_start3A_42 : memref<640x128xf32, #tpu.memory_space<hbm>>) target_semaphore(%run_scoped3A : memref<!tpu.dma_semaphore, #tpu.memory_space<semaphore_mem>>)
      %dma_wait3A_45 = arith.constant 0 : i32
      %dma_wait3A_46 = tpu.memref_slice %arg6[%arg0, %mul3A_39, %dma_wait3A_45] : memref<2x10240x128xf32, #tpu.memory_space<hbm>> -> memref<1x640x128xf32, #tpu.memory_space<hbm>>
      %dma_wait3A_47 = tpu.memref_squeeze %dma_wait3A_46 : memref<1x640x128xf32, #tpu.memory_space<hbm>> -> memref<640x128xf32, #tpu.memory_space<hbm>>
      %dma_wait3A_48 = arith.constant 0 : i32
      %dma_wait3A_49 = tpu.memref_slice %arg11[%mul3A_37, %dma_wait3A_48] : memref<10240x128xf32, #tpu.memory_space<vmem_shared>> -> memref<640x128xf32, #tpu.memory_space<vmem_shared>>
      tpu.wait_dma2 semaphore(%run_scoped3A : memref<!tpu.dma_semaphore, #tpu.memory_space<semaphore_mem>>) src(%dma_wait3A_49 : memref<640x128xf32, #tpu.memory_space<vmem_shared>>) dst(%dma_wait3A_47 : memref<640x128xf32, #tpu.memory_space<hbm>>)
      tpu.yield
    }) : () -> ()
    return
  }
}

module attributes {stable_mosaic.version = 14 : i64} {
  func.func @_t1_body(%arg0: i32, %arg1: memref<32x2048xf32, #tpu.memory_space<vmem>>, %arg2: memref<2048x128xf32, #tpu.memory_space<vmem>>, %arg3: memref<2048x1xf32, #tpu.memory_space<vmem>>, %arg4: memref<2048x128xf32, #tpu.memory_space<vmem>>) attributes {dimension_semantics = [#tpu.dimension_semantics<arbitrary>], iteration_bounds = array<i64: 5>, scalar_prefetch = 0 : i64, scratch_operands = 0 : i64, tpu.core_type = #tpu.core_type<tc>, window_params = [{transform_indices = @transform_0, window_bounds = array<i64: 32, 2048>}, {transform_indices = @transform_1, window_bounds = array<i64: 2048, 128>}, {transform_indices = @transform_2, window_bounds = array<i64: 2048, 1>}, {transform_indices = @transform_3, window_bounds = array<i64: 2048, 128>}]} {
    %get3A = arith.constant 0 : index
    %get3A_0 = arith.constant 0 : index
    %get3A_1 = vector.load %arg1[%get3A, %get3A_0] : memref<32x2048xf32, #tpu.memory_space<vmem>>, vector<32x2048xf32>
    %broadcast_in_dim3A = arith.constant 1.000000e+00 : f32
    %broadcast_in_dim3A_2 = vector.broadcast %broadcast_in_dim3A : f32 to vector<32x1xf32>
    %dot_general3A = arith.constant dense<0.000000e+00> : vector<2048x1xf32>
    %dot_general3A_3 = tpu.matmul %get3A_1, %broadcast_in_dim3A_2, %dot_general3A {dimension_numbers = #tpu.dot_dimension_numbers<[0], [0], [1], [1], [0, 1, 1, 1], [], []>, transpose_lhs_hint = false} : vector<32x2048xf32>, vector<32x1xf32>, vector<2048x1xf32> -> vector<2048x1xf32>
    %add3A = arith.constant 1.000000e+00 : f32
    %add3A_4 = vector.broadcast %add3A : f32 to vector<2048x1xf32>
    %add3A_5 = arith.addf %dot_general3A_3, %add3A_4 : vector<2048x1xf32>
    %max3A = arith.constant 1.000000e+00 : f32
    %max3A_6 = vector.broadcast %max3A : f32 to vector<2048x1xf32>
    %max3A_7 = arith.maximumf %add3A_5, %max3A_6 : vector<2048x1xf32>
    %rsqrt3A = math.rsqrt %max3A_7 : vector<2048x1xf32>
    %swap3A = arith.constant 0 : index
    %swap3A_8 = arith.constant 0 : index
    %swap3A_9 = vector.load %arg3[%swap3A, %swap3A_8] : memref<2048x1xf32, #tpu.memory_space<vmem>>, vector<2048x1xf32>
    tpu.vector_store %arg3[%swap3A, %swap3A_8], %rsqrt3A {strides = array<i32>} : memref<2048x1xf32, #tpu.memory_space<vmem>>, vector<2048x1xf32>,
    %get3A_10 = arith.constant 0 : index
    %get3A_11 = arith.constant 0 : index
    %get3A_12 = vector.load %arg2[%get3A_10, %get3A_11] : memref<2048x128xf32, #tpu.memory_space<vmem>>, vector<2048x128xf32>
    %mul3A = vector.broadcast %rsqrt3A : vector<2048x1xf32> to vector<2048x128xf32>
    %mul3A_13 = arith.mulf %get3A_12, %mul3A : vector<2048x128xf32>
    %swap3A_14 = arith.constant 0 : index
    %swap3A_15 = arith.constant 0 : index
    %swap3A_16 = vector.load %arg4[%swap3A_14, %swap3A_15] : memref<2048x128xf32, #tpu.memory_space<vmem>>, vector<2048x128xf32>
    tpu.vector_store %arg4[%swap3A_14, %swap3A_15], %mul3A_13 {strides = array<i32>} : memref<2048x128xf32, #tpu.memory_space<vmem>>, vector<2048x128xf32>,
    return
  }
  func.func @transform_0(%arg0: i32) -> (i32, i32) {
    %c0_i32 = arith.constant 0 : i32
    %c0_i32_0 = arith.constant 0 : i32
    return %c0_i32, %arg0 : i32, i32
  }
  func.func @transform_1(%arg0: i32) -> (i32, i32) {
    %c0_i32 = arith.constant 0 : i32
    %c0_i32_0 = arith.constant 0 : i32
    return %arg0, %c0_i32 : i32, i32
  }
  func.func @transform_2(%arg0: i32) -> (i32, i32) {
    %c0_i32 = arith.constant 0 : i32
    %c0_i32_0 = arith.constant 0 : i32
    return %arg0, %c0_i32 : i32, i32
  }
  func.func @transform_3(%arg0: i32) -> (i32, i32) {
    %c0_i32 = arith.constant 0 : i32
    %c0_i32_0 = arith.constant 0 : i32
    return %arg0, %c0_i32 : i32, i32
  }
}

module attributes {stable_mosaic.version = 14 : i64} {
  func.func @_t2_body(%arg0: i32, %arg1: memref<2x2000x128xf32, #tpu.memory_space<vmem>>, %arg2: memref<2000x128xf32, #tpu.memory_space<vmem>>, %arg3: memref<2000x1xf32, #tpu.memory_space<vmem>>, %arg4: memref<128x128xf32, #tpu.memory_space<vmem>>, %arg5: memref<1x128xf32, #tpu.memory_space<vmem>>, %arg6: memref<2000x128xf32, #tpu.memory_space<vmem>>) attributes {dimension_semantics = [#tpu.dimension_semantics<arbitrary>], iteration_bounds = array<i64: 5>, scalar_prefetch = 0 : i64, scratch_operands = 0 : i64, tpu.core_type = #tpu.core_type<tc>, window_params = [{transform_indices = @transform_0, window_bounds = array<i64: 2, 2000, 128>}, {transform_indices = @transform_1, window_bounds = array<i64: 2000, 128>}, {transform_indices = @transform_2, window_bounds = array<i64: 2000, 1>}, {pipeline_mode = #tpu.pipeline_mode<synchronous>, transform_indices = @transform_3, window_bounds = array<i64: 128, 128>}, {pipeline_mode = #tpu.pipeline_mode<synchronous>, transform_indices = @transform_4, window_bounds = array<i64: 1, 128>}, {transform_indices = @transform_5, window_bounds = array<i64: 2000, 128>}]} {
    %get3A = arith.constant 0 : index
    %get3A_0 = arith.constant 0 : index
    %get3A_1 = vector.load %arg3[%get3A, %get3A_0] : memref<2000x1xf32, #tpu.memory_space<vmem>>, vector<2000x1xf32>
    %get3A_2 = arith.constant 0 : index
    %get3A_3 = arith.constant 0 : index
    %get3A_4 = arith.constant 0 : index
    %get3A_5 = vector.load %arg1[%get3A_2, %get3A_3, %get3A_4] : memref<2x2000x128xf32, #tpu.memory_space<vmem>>, vector<1x2000x128xf32>
    %get3A_6 = vector.shape_cast %get3A_5 : vector<1x2000x128xf32> to vector<2000x128xf32>
    %get3A_7 = arith.constant 1 : index
    %get3A_8 = arith.constant 0 : index
    %get3A_9 = arith.constant 0 : index
    %get3A_10 = vector.load %arg1[%get3A_7, %get3A_8, %get3A_9] : memref<2x2000x128xf32, #tpu.memory_space<vmem>>, vector<1x2000x128xf32>
    %get3A_11 = vector.shape_cast %get3A_10 : vector<1x2000x128xf32> to vector<2000x128xf32>
    %add3A = arith.addf %get3A_6, %get3A_11 : vector<2000x128xf32>
    %get3A_12 = arith.constant 0 : index
    %get3A_13 = arith.constant 0 : index
    %get3A_14 = vector.load %arg2[%get3A_12, %get3A_13] : memref<2000x128xf32, #tpu.memory_space<vmem>>, vector<2000x128xf32>
    %add3A_15 = arith.addf %add3A, %get3A_14 : vector<2000x128xf32>
    %mul3A = vector.broadcast %get3A_1 : vector<2000x1xf32> to vector<2000x128xf32>
    %mul3A_16 = arith.mulf %add3A_15, %mul3A : vector<2000x128xf32>
    %get3A_17 = arith.constant 0 : index
    %get3A_18 = arith.constant 0 : index
    %get3A_19 = vector.load %arg4[%get3A_17, %get3A_18] : memref<128x128xf32, #tpu.memory_space<vmem>>, vector<128x128xf32>
    %dot_general3A = arith.constant dense<0.000000e+00> : vector<2000x128xf32>
    %dot_general3A_20 = tpu.matmul %mul3A_16, %get3A_19, %dot_general3A {dimension_numbers = #tpu.dot_dimension_numbers<[1], [0], [0], [1], [0, 0, 1, 1], [], []>, transpose_lhs_hint = false} : vector<2000x128xf32>, vector<128x128xf32>, vector<2000x128xf32> -> vector<2000x128xf32>
    %get3A_21 = arith.constant 0 : index
    %get3A_22 = arith.constant 0 : index
    %get3A_23 = vector.load %arg5[%get3A_21, %get3A_22] : memref<1x128xf32, #tpu.memory_space<vmem>>, vector<1x128xf32>
    %add3A_24 = vector.broadcast %get3A_23 : vector<1x128xf32> to vector<2000x128xf32>
    %add3A_25 = arith.addf %dot_general3A_20, %add3A_24 : vector<2000x128xf32>
    %max3A = arith.constant 0.000000e+00 : f32
    %max3A_26 = vector.broadcast %max3A : f32 to vector<2000x128xf32>
    %max3A_27 = arith.maximumf %add3A_25, %max3A_26 : vector<2000x128xf32>
    %mul3A_28 = vector.broadcast %get3A_1 : vector<2000x1xf32> to vector<2000x128xf32>
    %mul3A_29 = arith.mulf %max3A_27, %mul3A_28 : vector<2000x128xf32>
    %swap3A = arith.constant 0 : index
    %swap3A_30 = arith.constant 0 : index
    %swap3A_31 = vector.load %arg6[%swap3A, %swap3A_30] : memref<2000x128xf32, #tpu.memory_space<vmem>>, vector<2000x128xf32>
    tpu.vector_store %arg6[%swap3A, %swap3A_30], %mul3A_29 {strides = array<i32>} : memref<2000x128xf32, #tpu.memory_space<vmem>>, vector<2000x128xf32>,
    return
  }
  func.func @transform_0(%arg0: i32) -> (i32, i32, i32) {
    %c0_i32 = arith.constant 0 : i32
    %c0_i32_0 = arith.constant 0 : i32
    %c0_i32_1 = arith.constant 0 : i32
    return %c0_i32, %arg0, %c0_i32_0 : i32, i32, i32
  }
  func.func @transform_1(%arg0: i32) -> (i32, i32) {
    %c0_i32 = arith.constant 0 : i32
    %c0_i32_0 = arith.constant 0 : i32
    return %arg0, %c0_i32 : i32, i32
  }
  func.func @transform_2(%arg0: i32) -> (i32, i32) {
    %c0_i32 = arith.constant 0 : i32
    %c0_i32_0 = arith.constant 0 : i32
    return %arg0, %c0_i32 : i32, i32
  }
  func.func @transform_3(%arg0: i32) -> (i32, i32) {
    %c0_i32 = arith.constant 0 : i32
    %c0_i32_0 = arith.constant 0 : i32
    %c0_i32_1 = arith.constant 0 : i32
    return %c0_i32, %c0_i32_0 : i32, i32
  }
  func.func @transform_4(%arg0: i32) -> (i32, i32) {
    %c0_i32 = arith.constant 0 : i32
    %c0_i32_0 = arith.constant 0 : i32
    %c0_i32_1 = arith.constant 0 : i32
    return %c0_i32, %c0_i32_0 : i32, i32
  }
  func.func @transform_5(%arg0: i32) -> (i32, i32) {
    %c0_i32 = arith.constant 0 : i32
    %c0_i32_0 = arith.constant 0 : i32
    return %arg0, %c0_i32 : i32, i32
  }
}

module attributes {stable_mosaic.version = 14 : i64} {
  func.func @_t3_body(%arg0: i32, %arg1: memref<2x2000x128xf32, #tpu.memory_space<vmem>>, %arg2: memref<2000x128xf32, #tpu.memory_space<vmem>>, %arg3: memref<2000x1xf32, #tpu.memory_space<vmem>>, %arg4: memref<128x128xf32, #tpu.memory_space<vmem>>, %arg5: memref<1x128xf32, #tpu.memory_space<vmem>>, %arg6: memref<128x40xf32, #tpu.memory_space<vmem>>, %arg7: memref<1x40xf32, #tpu.memory_space<vmem>>, %arg8: memref<2000x128xf32, #tpu.memory_space<vmem>>, %arg9: memref<2000x40xf32, #tpu.memory_space<vmem>>) attributes {dimension_semantics = [#tpu.dimension_semantics<arbitrary>], iteration_bounds = array<i64: 5>, scalar_prefetch = 0 : i64, scratch_operands = 0 : i64, tpu.core_type = #tpu.core_type<tc>, window_params = [{transform_indices = @transform_0, window_bounds = array<i64: 2, 2000, 128>}, {transform_indices = @transform_1, window_bounds = array<i64: 2000, 128>}, {transform_indices = @transform_2, window_bounds = array<i64: 2000, 1>}, {pipeline_mode = #tpu.pipeline_mode<synchronous>, transform_indices = @transform_3, window_bounds = array<i64: 128, 128>}, {pipeline_mode = #tpu.pipeline_mode<synchronous>, transform_indices = @transform_4, window_bounds = array<i64: 1, 128>}, {pipeline_mode = #tpu.pipeline_mode<synchronous>, transform_indices = @transform_5, window_bounds = array<i64: 128, 40>}, {pipeline_mode = #tpu.pipeline_mode<synchronous>, transform_indices = @transform_6, window_bounds = array<i64: 1, 40>}, {transform_indices = @transform_7, window_bounds = array<i64: 2000, 128>}, {transform_indices = @transform_8, window_bounds = array<i64: 2000, 40>}]} {
    %get3A = arith.constant 0 : index
    %get3A_0 = arith.constant 0 : index
    %get3A_1 = vector.load %arg3[%get3A, %get3A_0] : memref<2000x1xf32, #tpu.memory_space<vmem>>, vector<2000x1xf32>
    %get3A_2 = arith.constant 0 : index
    %get3A_3 = arith.constant 0 : index
    %get3A_4 = arith.constant 0 : index
    %get3A_5 = vector.load %arg1[%get3A_2, %get3A_3, %get3A_4] : memref<2x2000x128xf32, #tpu.memory_space<vmem>>, vector<1x2000x128xf32>
    %get3A_6 = vector.shape_cast %get3A_5 : vector<1x2000x128xf32> to vector<2000x128xf32>
    %get3A_7 = arith.constant 1 : index
    %get3A_8 = arith.constant 0 : index
    %get3A_9 = arith.constant 0 : index
    %get3A_10 = vector.load %arg1[%get3A_7, %get3A_8, %get3A_9] : memref<2x2000x128xf32, #tpu.memory_space<vmem>>, vector<1x2000x128xf32>
    %get3A_11 = vector.shape_cast %get3A_10 : vector<1x2000x128xf32> to vector<2000x128xf32>
    %add3A = arith.addf %get3A_6, %get3A_11 : vector<2000x128xf32>
    %get3A_12 = arith.constant 0 : index
    %get3A_13 = arith.constant 0 : index
    %get3A_14 = vector.load %arg2[%get3A_12, %get3A_13] : memref<2000x128xf32, #tpu.memory_space<vmem>>, vector<2000x128xf32>
    %add3A_15 = arith.addf %add3A, %get3A_14 : vector<2000x128xf32>
    %mul3A = vector.broadcast %get3A_1 : vector<2000x1xf32> to vector<2000x128xf32>
    %mul3A_16 = arith.mulf %add3A_15, %mul3A : vector<2000x128xf32>
    %get3A_17 = arith.constant 0 : index
    %get3A_18 = arith.constant 0 : index
    %get3A_19 = vector.load %arg4[%get3A_17, %get3A_18] : memref<128x128xf32, #tpu.memory_space<vmem>>, vector<128x128xf32>
    %dot_general3A = arith.constant dense<0.000000e+00> : vector<2000x128xf32>
    %dot_general3A_20 = tpu.matmul %mul3A_16, %get3A_19, %dot_general3A {dimension_numbers = #tpu.dot_dimension_numbers<[1], [0], [0], [1], [0, 0, 1, 1], [], []>, transpose_lhs_hint = false} : vector<2000x128xf32>, vector<128x128xf32>, vector<2000x128xf32> -> vector<2000x128xf32>
    %get3A_21 = arith.constant 0 : index
    %get3A_22 = arith.constant 0 : index
    %get3A_23 = vector.load %arg5[%get3A_21, %get3A_22] : memref<1x128xf32, #tpu.memory_space<vmem>>, vector<1x128xf32>
    %add3A_24 = vector.broadcast %get3A_23 : vector<1x128xf32> to vector<2000x128xf32>
    %add3A_25 = arith.addf %dot_general3A_20, %add3A_24 : vector<2000x128xf32>
    %swap3A = arith.constant 0 : index
    %swap3A_26 = arith.constant 0 : index
    %swap3A_27 = vector.load %arg8[%swap3A, %swap3A_26] : memref<2000x128xf32, #tpu.memory_space<vmem>>, vector<2000x128xf32>
    tpu.vector_store %arg8[%swap3A, %swap3A_26], %add3A_25 {strides = array<i32>} : memref<2000x128xf32, #tpu.memory_space<vmem>>, vector<2000x128xf32>,
    %max3A = arith.constant 0.000000e+00 : f32
    %max3A_28 = vector.broadcast %max3A : f32 to vector<2000x128xf32>
    %max3A_29 = arith.maximumf %add3A_25, %max3A_28 : vector<2000x128xf32>
    %get3A_30 = arith.constant 0 : index
    %get3A_31 = arith.constant 0 : index
    %get3A_32 = vector.load %arg6[%get3A_30, %get3A_31] : memref<128x40xf32, #tpu.memory_space<vmem>>, vector<128x40xf32>
    %dot_general3A_33 = arith.constant dense<0.000000e+00> : vector<2000x40xf32>
    %dot_general3A_34 = tpu.matmul %max3A_29, %get3A_32, %dot_general3A_33 {dimension_numbers = #tpu.dot_dimension_numbers<[1], [0], [0], [1], [0, 0, 1, 1], [], []>, transpose_lhs_hint = false} : vector<2000x128xf32>, vector<128x40xf32>, vector<2000x40xf32> -> vector<2000x40xf32>
    %get3A_35 = arith.constant 0 : index
    %get3A_36 = arith.constant 0 : index
    %get3A_37 = vector.load %arg7[%get3A_35, %get3A_36] : memref<1x40xf32, #tpu.memory_space<vmem>>, vector<1x40xf32>
    %add3A_38 = vector.broadcast %get3A_37 : vector<1x40xf32> to vector<2000x40xf32>
    %add3A_39 = arith.addf %dot_general3A_34, %add3A_38 : vector<2000x40xf32>
    %swap3A_40 = arith.constant 0 : index
    %swap3A_41 = arith.constant 0 : index
    %swap3A_42 = vector.load %arg9[%swap3A_40, %swap3A_41] : memref<2000x40xf32, #tpu.memory_space<vmem>>, vector<2000x40xf32>
    tpu.vector_store %arg9[%swap3A_40, %swap3A_41], %add3A_39 {strides = array<i32>} : memref<2000x40xf32, #tpu.memory_space<vmem>>, vector<2000x40xf32>,
    return
  }
  func.func @transform_0(%arg0: i32) -> (i32, i32, i32) {
    %c0_i32 = arith.constant 0 : i32
    %c0_i32_0 = arith.constant 0 : i32
    %c0_i32_1 = arith.constant 0 : i32
    return %c0_i32, %arg0, %c0_i32_0 : i32, i32, i32
  }
  func.func @transform_1(%arg0: i32) -> (i32, i32) {
    %c0_i32 = arith.constant 0 : i32
    %c0_i32_0 = arith.constant 0 : i32
    return %arg0, %c0_i32 : i32, i32
  }
  func.func @transform_2(%arg0: i32) -> (i32, i32) {
    %c0_i32 = arith.constant 0 : i32
    %c0_i32_0 = arith.constant 0 : i32
    return %arg0, %c0_i32 : i32, i32
  }
  func.func @transform_3(%arg0: i32) -> (i32, i32) {
    %c0_i32 = arith.constant 0 : i32
    %c0_i32_0 = arith.constant 0 : i32
    %c0_i32_1 = arith.constant 0 : i32
    return %c0_i32, %c0_i32_0 : i32, i32
  }
  func.func @transform_4(%arg0: i32) -> (i32, i32) {
    %c0_i32 = arith.constant 0 : i32
    %c0_i32_0 = arith.constant 0 : i32
    %c0_i32_1 = arith.constant 0 : i32
    return %c0_i32, %c0_i32_0 : i32, i32
  }
  func.func @transform_5(%arg0: i32) -> (i32, i32) {
    %c0_i32 = arith.constant 0 : i32
    %c0_i32_0 = arith.constant 0 : i32
    %c0_i32_1 = arith.constant 0 : i32
    return %c0_i32, %c0_i32_0 : i32, i32
  }
  func.func @transform_6(%arg0: i32) -> (i32, i32) {
    %c0_i32 = arith.constant 0 : i32
    %c0_i32_0 = arith.constant 0 : i32
    %c0_i32_1 = arith.constant 0 : i32
    return %c0_i32, %c0_i32_0 : i32, i32
  }
  func.func @transform_7(%arg0: i32) -> (i32, i32) {
    %c0_i32 = arith.constant 0 : i32
    %c0_i32_0 = arith.constant 0 : i32
    return %arg0, %c0_i32 : i32, i32
  }
  func.func @transform_8(%arg0: i32) -> (i32, i32) {
    %c0_i32 = arith.constant 0 : i32
    %c0_i32_0 = arith.constant 0 : i32
    return %arg0, %c0_i32 : i32, i32
  }
}

</mosaic_0001>

<sc_bundles>
// kernel: kernel.11.cloned.1.call-start
scs
__scs_entry_jumppad:
0x0: {  	(pc) =	sbr.rel $0x88, $3  }
0x1: {  	(tag) =	ssettag $0x0;
	lr =	simm.s32 $0x1  }
0x2: {  	[smem:$0x3F99] =	sst lr;
	_ =	strace $0xD0000000  }
0x3: {  	_ = 	snop  }
0x4: {  	_ = 	snop  }
0x5: {  	_ = 	snop  }
0x6: {  	_ = 	snop  }
0x7: {  	_ = 	snop  }
__scs_overlays_trampoline_lowered:
0x8: {  	[smem:$0x3FA8] =	sst s0  }
0x9: {  	[smem:$0x3FA9] =	sst s1  }
0xa: {  	[smem:$0x3FAA] =	sst s2  }
0xb: {  	[smem:$0x3FAB] =	sst s3  }
0xc: {  	[smem:$0x3FAC] =	sst s4  }
0xd: {  	[smem:$0x3FAD] =	sst s5  }
0xe: {  	[smem:$0x3FAE] =	sst s6  }
0xf: {  	[smem:$0x3FAF] =	sst s7  }
0x10: {  	[smem:$0x3FB0] =	sst s8  }
0x11: {  	[smem:$0x3FB1] =	sst s9;
	s0 =	simm.s32 @!p0 $0x0  }
0x12: {  	s1 =	sld [smem:$0x3F97];
	s0 =	simm.s32 @p0 $0x1  }
0x13: {  	[smem:$0x3FB2] =	sst s0;
	s0 =	simm.s32 @!p1 $0x0  }
0x14: {  	s2 =	sld [smem:$0x3F96];
	s0 =	simm.s32 @p1 $0x1  }
0x15: {  	[smem:$0x3FB3] =	sst s0;
	s0 =	simm.s32 @!p2 $0x0  }
0x16: {  	s3 =	sld [smem:$0x3FDB];
	s0 =	simm.s32 @p2 $0x1  }
0x17: {  	s4 =	simm.s32 $0x1BF5;
	[smem:$0x3FB5] =	sst s0  }
0x18: {  	s0 =	sld [smem:$0x3F98];
	_ =	swait.ge [sflag:s4], $0x0  }
0x19: {  	s7 =	sld [smem:$0x3F99]  }
0x1a: {  	s8 =	sadd.s32 $0xFFFFE003, lr  }
0x1b: {  	s9 =	sadd.s32 $0xFFFFFEF7, lr;
	s5 =	simm.s32 $0xFFFFFFFF;
	p2 =	slt.u32 s8, $0xFFFFF086  }
0x1c: {  	p1 =	slt.u32 s9, $0xF7A;
	s5 =	simm.s32 @!p2 $0x0  }
0x1d: {  	s5 =	simm.s32 @p1 $0x1;
	p0 =	seq.s32 s7, s2  }
0x1e: {  	s7 =	smul.u32 @!p0 $0xF7A, s2;
	p2 =	seq.s32 @!p0 s5, $0x0  }
0x1f: {  	s9 =	smul.u32 $0xF7A, s1;
	s8 =	simm.s32 @!p0 $0x1BF5;
	p2 =	por !p2, p0  }
0x20: {  	[sflag:s8] =	ssyncset.s32 @!p0 $0xFFFFF086;
	s6 =	sadd.s32 @!p0 s3, s7;
	s7 =	simm.s32 @!p0 $0x108  }
0x21: {  	s3 =	sadd.s32 s3, s9;
	s6 =	sadd.s32 @!p0 $0x88, s6;
	s7 =	simm.s32 @p2 $0x1082  }
0x22: {  	[simem:s7], [sflag:s8] =	dma.local @!p0 [hbm:s6], $0xF7A  }
0x23: {  	s9 =	sor.u32 $0xD0000000, s2;
	s6 =	simm.s32 $0x108;
	_ =	swait.ge @!p0 [sflag:s8], $0x0  }
0x24: {  	s3 =	sadd.s32 $0x88, s3;
	s6 =	simm.s32 @!p1 $0x1082;
	[sflag:s4] =	ssyncset.s32 $0xFFFFF086  }
0x25: {  	[simem:s6], [sflag:s4] =	dma.local [hbm:s3], $0xF7A  }
0x26: {  	[smem:$0x3F99] =	sst s1;
	(tag) =	ssettag s2;
	_ =	strace s9  }
0x27: {  	s1 =	sld [smem:$0x3FA9]  }
0x28: {  	s2 =	sld [smem:$0x3FAA]  }
0x29: {  	s4 =	sld [smem:$0x3FAC]  }
0x2a: {  	p0 =	seq.s32 s5, $0x0;
	s5 =	sld [smem:$0x3FAD]  }
0x2b: {  	s6 =	sld [smem:$0x3FAE]  }
0x2c: {  	s7 =	sld [smem:$0x3FAF]  }
0x2d: {  	s3 =	simm.s32 $0x108;
	s8 =	sld [smem:$0x3FB0]  }
0x2e: {  	s3 =	simm.s32 @!p0 $0x1082;
	s9 =	sld [smem:$0x3FB1]  }
0x2f: {  	lr =	sadd.s32 s0, s3;
	s0 =	sld [smem:$0x3FA8]  }
0x30: {  	s3 =	sld [smem:$0x3FAB]  }
0x31: {  	[smem:$0x3FB4] =	sst s10  }
0x32: {  	s10 =	sld [smem:$0x3FB2];
	_ =	sdelay $0x3  }
0x33: {  	p0 =	seq.s32 s10, $0x1;
	s10 =	sld [smem:$0x3FB4];
	_ =	sdelay $0x3  }
0x34: {  	[smem:$0x3FB4] =	sst s10  }
0x35: {  	s10 =	sld [smem:$0x3FB3];
	_ =	sdelay $0x3  }
0x36: {  	p1 =	seq.s32 s10, $0x1;
	s10 =	sld [smem:$0x3FB4];
	_ =	sdelay $0x3  }
0x37: {  	[smem:$0x3FB4] =	sst s10  }
0x38: {  	s10 =	sld [smem:$0x3FB5]  }
0x39: {  	_ = 	snop;
	(pc) =	sbr.ind lr, $3  }
0x3a: {  	_ = 	snop  }
0x3b: {  	_ = 	snop  }
0x3c: {  	p2 =	seq.s32 s10, $0x1;
	s10 =	sld [smem:$0x3FB4]  }
0x3d: {  	_ =	shalt  }
0x3e: {  	_ =	shalt  }
0x3f: {  	_ =	shalt  }
0x40: {  	_ =	shalt  }
0x41: {  	_ =	shalt  }
0x42: {  	_ =	shalt  }
0x43: {  	_ =	shalt  }
0x44: {  	_ =	shalt  }
0x45: {  	_ =	shalt  }
0x46: {  	_ =	shalt  }
0x47: {  	_ =	shalt  }
0x48: {  	_ =	shalt  }
0x49: {  	_ =	shalt  }
0x4a: {  	_ =	shalt  }
0x4b: {  	_ =	shalt  }
0x4c: {  	_ =	shalt  }
0x4d: {  	_ =	shalt  }
0x4e: {  	_ =	shalt  }
0x4f: {  	_ =	shalt  }
0x50: {  	_ =	shalt  }
0x51: {  	_ =	shalt  }
0x52: {  	_ =	shalt  }
0x53: {  	_ =	shalt  }
0x54: {  	_ =	shalt  }
0x55: {  	_ =	shalt  }
0x56: {  	_ =	shalt  }
0x57: {  	_ =	shalt  }
0x58: {  	_ =	shalt  }
0x59: {  	_ =	shalt  }
0x5a: {  	_ =	shalt  }
0x5b: {  	_ =	shalt  }
0x5c: {  	_ =	shalt  }
0x5d: {  	_ =	shalt  }
0x5e: {  	_ =	shalt  }
0x5f: {  	_ =	shalt  }
0x60: {  	_ =	shalt  }
0x61: {  	_ =	shalt  }
0x62: {  	_ =	shalt  }
0x63: {  	_ =	shalt  }
0x64: {  	_ =	shalt  }
0x65: {  	_ =	shalt  }
0x66: {  	_ =	shalt  }
0x67: {  	_ =	shalt  }
0x68: {  	_ =	shalt  }
0x69: {  	_ =	shalt  }
0x6a: {  	_ =	shalt  }
0x6b: {  	_ =	shalt  }
0x6c: {  	_ =	shalt  }
0x6d: {  	_ =	shalt  }
0x6e: {  	_ =	shalt  }
0x6f: {  	_ =	shalt  }
0x70: {  	_ =	shalt  }
0x71: {  	_ =	shalt  }
0x72: {  	_ =	shalt  }
0x73: {  	_ =	shalt  }
0x74: {  	_ =	shalt  }
0x75: {  	_ =	shalt  }
0x76: {  	_ =	shalt  }
0x77: {  	_ =	shalt  }
0x78: {  	_ =	shalt  }
0x79: {  	_ =	shalt  }
0x7a: {  	_ =	shalt  }
0x7b: {  	_ =	shalt  }
0x7c: {  	_ =	shalt  }
0x7d: {  	_ =	shalt  }
0x7e: {  	_ =	shalt  }
0x7f: {  	_ =	shalt  }
0x80: {  	_ =	shalt  }
0x81: {  	_ =	shalt  }
0x82: {  	_ =	shalt  }
0x83: {  	_ =	shalt  }
0x84: {  	_ =	shalt  }
0x85: {  	_ =	shalt  }
0x86: {  	_ =	shalt  }
0x87: {  	_ =	shalt  }
.Lfunc_end0:
.L_simem_size_0:
called_computation.1_lowered:
.L_overlay_start_0:
0x88: {  	s2 =	sld [smem:$0x3FD9]  }
0x89: {  	s3 =	sld [smem:$0x3FFE];
	_ =	sdelay $0x1  }
0x8a: {  	s1 =	srdreg.scid  }
0x8b: {  	s0 =	sand.u32 $0x1, s1  }
0x8c: {  	s16 =	sshll.u32 s0, $0xA;
	s2 =	sadd.s32 s3, s2  }
0x8d: {  	s2 =	sadd.s32 s2, s16  }
0x8e: {  	[smem:$0x3FC0] =	sst s2  }
0x8f: {  	_ = 	snop  }
0x90: {  	(tm) =	ssettm $0x1  }
0x91: {  	s17 =	sld [smem:$0x3FFB];
	_ =	sdelay $0x3  }
0x92: {  	_ =	strace s17  }
0x93: {  	s2 =	sld [smem:$0x3FFC];
	_ =	sdelay $0x3  }
0x94: {  	_ =	strace s2  }
0x95: {  	s2 =	sld [smem:$0x3FFD];
	_ =	sdelay $0x3  }
0x96: {  	_ =	strace s2  }
0x97: {  	_ =	strace $0x8FFFFFFF  }
0x98: {  	s18 =	sld [smem:$0x3FDB];
	_ =	sdelay $0x1  }
0x99: {  	s19 =	simm.s32 $_scs_section_size  }
0x9a: {  	s4 =	simm.s32 $_size__tile_overlayer_lowered;
	s5 =	simm.s32 $_tile_overlayer_lowered  }
0x9b: {  	s22 =	simm.s32 $0x1BFF;
	s21 =	sshll.u32 s5, $0x1;
	s2 =	sadd.s32 s19, s18  }
0x9c: {  	s6 =	simm.s32 $0x0;
	s20 =	sshll.u32 s4, $0x1;
	s4 =	sadd.s32 s21, s2  }
0x9d: {  	[timem:s6], [sflag:s22] =	dma.local [hbm:s4], s20  }
0x9e: {  	_ =	swait.ge [sflag:s22], s20  }
0x9f: {  	s3 =	ssub.s32 $0x0, s20;
	[sflag:s22] =	ssyncset.done $0x0  }
0xa0: {  	[sflag:s22] =	ssyncadd.s32 s3;
	_ =	sdelay $0x1  }
0xa1: {  	s23 =	simm.s32 $0x1B8B  }
0xa2: {  	_ =	swait.ge [sflag:s23], $0x1  }
0xa3: {  	[sflag:s23] =	ssyncset.done $0x0  }
0xa4: {  	s25 =	simm.s32 $0x1B8E;
	s24 =	sld [smem:$0x3FFE];
	[sflag:s23] =	ssyncadd.s32 $0xFFFFFFFF  }
0xa5: {  	s26 =	simm.s32 $execute0_lowered;
	[smem:$0x3FD2] =	sst s25  }
0xa6: {  	s4 =	sshll.u32 s26, $0x1;
	_ =	strace $0x80000049;
	[dreg:$0x1] =	wrdreg $0xFFFFFFFF  }
0xa7: {  	s28 =	simm.s32 $_size_execute0_lowered;
	s2 =	sadd.s32 s2, s4;
	[dreg:$0x0] =	wrdreg $0x0  }
0xa8: {  	s4 =	sshll.u32 s28, $0x1;
	[dreg:$0x2] =	wrdreg s2  }
0xa9: {  	[dreg:$0x3] =	wrdreg s4  }
0xaa: {  	[dreg:$0x4] =	wrdreg $0xC0  }
0xab: {  	_ =	task [dreg:s6], $0x5FFFF  }
0xac: {  	[dreg:$0x1] =	wrdreg $0xFFFFFFFF  }
0xad: {  	[dreg:$0x0] =	wrdreg $0x60  }
0xae: {  	[dreg:$0x2] =	wrdreg s24  }
0xaf: {  	[dreg:$0x3] =	wrdreg $0xB7800  }
0xb0: {  	[dreg:$0x4] =	wrdreg $0x9  }
0xb1: {  	_ =	task.clear_ibuf [dreg:s6], $0x5FFFF;
	_ =	strace $0x90000049  }
0xb2: {  	s29 =	simm.s32 $0x9;
	_ =	strace $0x8000004B  }
0xb3: {  	_ =	swait.ge [sflag:s29], $0x1  }
0xb4: {  	[sflag:s29] =	ssyncadd.s32 $0xFFFFFFFF  }
0xb5: {  	_ =	strace $0x9000004B  }
0xb6: {  	_ =	sfence  }
0xb7: {  	s30 =	sld [smem:$0x0];
	_ =	sdelay $0x2  }
0xb8: {  	s31 =	sshll.u32 s1, $0xD;
	s1 =	sshrl.u32 s1, $0x2  }
0xb9: {  	s3 =	sand.u32 $0x4000, s31;
	s1 =	sadd.s32 s1, s30  }
0xba: {  	s0 =	sor.u32 s3, s0;
	s1 =	sshll.u32 s1, $0x11  }
0xbb: {  	s0 =	sor.u32 s1, s0  }
0xbc: {  	s0 =	sadd.s32 $0x8F2B, s0  }
0xbd: {  	[sflag:s0] =	ssyncadd.remote.s32 $0x1  }
0xbe: {  	_ =	sfence.sel $0xFFFF  }
0xbf: {  	[dreg:$0x0] =	wrdreg $0xFFFFFFFF;
	(pc) =	sbr.abs _section_cstart, $3  }
0xc0: {  	[dreg:$0x1] =	wrdreg $0xFFFFFFFF  }
0xc1: {  	_ =	task.clear_ibuf [dreg:s6], $0x2FFFF;
	_ =	strace $0x9FFFFFFF  }
0xc2: {  	(tm) =	ssettm $0x7FFFFFFF  }
0xc3: {  	_ =	shalt  }
tec
execute0_lowered:
.L_overlay_start_1:
0x0: {  	(tag) =	ssettag $0x1  }
0x1: {  	s1 =	srdreg.scid  }
0x2: {  	s0 =	stileid.u32;
	s5 =	rddreg [dreg:$0x0]  }
0x3: {  	s2 =	rddreg [dreg:$0x1];
	s3 =	simm.s32 $0x0;
	s14 =	simm.s32 $0x50  }
0x4: {  	s15 =	simm.s32 $0x6780;
	s16 =	simm.s32 $0x8F80;
	s17 =	simm.s32 $0x1  }
0x5: {  	s18 =	simm.s32 $0x2;
	s19 =	simm.s32 $0x3;
	s20 =	simm.s32 $0x4  }
0x6: {  	s21 =	simm.s32 $0x6580;
	s22 =	simm.s32 $0x0;
	s6 =	sand.u32 $0x1, s1  }
0x7: {  	s25 =	sshll.u32 s0, $0x1;
	s1 =	rddreg [dreg:$0x2];
	s8 =	smul.u32 $0x14000, s0  }
0x8: {  	[smem:$0x7FF] =	sst s3;
	s26 =	smul.u32 $0x50000, s0;
	s31 =	sshll.u32 s0, $0x6  }
0x9: {  	s4 =	sor.u32 s6, s25;
	_ =	strace $0x8000004A;
	s10 =	smul.u32 $0x140000, s6  }
0xa: {  	s6 =	ssub.s32 $0x2, s6;
	s7 =	smul.u32 $0x4E2, s4;
	s9 =	sshll.u32 s4, $0xB  }
0xb: {  	s4 =	sadd.s32 $0x1C600, s5;
	s11 =	sshrl.u32 s8, $0x3;
	s28 =	sshrl.u32 s6, $0x1  }
0xc: {  	s29 =	sshrl.u32 s26, $0x2;
	s9 =	sadd.s32 s9, s5;
	s8 =	sadd.s32 s8, s10  }
0xd: {  	s11 =	sadd.s32 s11, s5;
	s30 =	ssub.s32 s6, s28;
	s13 =	sadd.s32 s29, s2  }
0xe: {  	s6 =	sor.u32 $0x1C05, s31;
	s7 =	sadd.s32 s7, s5;
	s8 =	sshrl.u32 s8, $0x3  }
0xf: {  	s10 =	smax.u32 s30, $0x1;
	s12 =	sadd.s32 s8, s5;
	s5 =	sadd.s32 $0x44600, s11  }
0x10: {  	s7 =	sadd.s32 $0x2800, s7;
	s8 =	sadd.s32 $0xC600, s9;
	s11 =	sshrl.u32 s13, $0x3  }
0x11: {  	s13 =	simm.s32 $0x2780;
	s9 =	sadd.s32 $0x6C600, s12;
	s12 =	simm.s32 $0x5  }
.LBB2_1:
0x12: {  	[spmem:s11], [sflag:s6] =	dma.local [hbm:s5], $0x2800  }
0x13: {  	_ =	swait.ge [sflag:s12], $0x2800  }
0x14: {  	[sflag:s12] =	ssyncset.done $0x0  }
0x15: {  	[sflag:s12] =	ssyncadd.s32 $0xFFFFD800  }
0x16: {  	[tilespmem:s3], [sflag:$0x5] =	stream.linear.gather [hbm4b:s7+s3], $0x2710, $0x38;
	[tilespmem:$0x1F780] =	vst v63  }
0x17: {  	_ =	swait.ge [sflag:s12], $0x2710  }
0x18: {  	[sflag:s12] =	ssyncset.done $0x0  }
0x19: {  	[sflag:s12] =	ssyncadd.s32 $0xFFFFD8F0  }
0x1a: {  	[tilespmem:s13], [sflag:$0x5] =	stream.linear.gather [hbm4b:s8+s3], $0x3E80, $0x38;
	[tilespmem:$0x1F780] =	vst v63  }
0x1b: {  	_ =	swait.ge [sflag:s12], $0x3E80  }
0x1c: {  	[sflag:s12] =	ssyncset.done $0x0  }
0x1d: {  	[sflag:s12] =	ssyncadd.s32 $0xFFFFC180  }
0x1e: {  	[bflag:$0x0] =	sbarrier.arrive $0xFFFF  }
0x1f: {  	[tilespmem:s15], [sflag:$0x1] =	stream.indirect.gather [hbm4b:s4+s14], $0x80, s3, s14, $0xb8;
	[tilespmem:$0x1F780] =	vst v63  }
0x20: {  	s23 =	simm.s32 $0x50  }
0x21: {  	[tilespmem:s16], [sflag:$0x2] =	stream.indirect.gather [hbm4b:s4+s14], $0x80, s23, s14, $0xb8;
	[tilespmem:$0x1F780] =	vst v63  }
0x22: {  	_ =	swait.ge [sflag:s17], $0x2800  }
0x23: {  	[sflag:s17] =	ssyncset.done $0x0  }
0x24: {  	s29 =	simm.s32 $0x2780;
	[sflag:s17] =	ssyncadd.s32 $0xFFFFD800  }
0x25: {  	[spmem:s2] =	stream.indirect.scatter.add.f32 [tilespmem:s15], [sflag:$0x3], $0x80, s29, s14, $0xb8;
	[tilespmem:$0x1F780] =	vst v63  }
0x26: {  	_ =	swait.ge [sflag:s18], $0x2800  }
0x27: {  	[sflag:s18] =	ssyncset.done $0x0  }
0x28: {  	s30 =	simm.s32 $0x2800;
	[sflag:s18] =	ssyncadd.s32 $0xFFFFD800  }
0x29: {  	[spmem:s2] =	stream.indirect.scatter.add.f32 [tilespmem:s16], [sflag:$0x4], $0x80, s30, s14, $0xb8;
	[tilespmem:$0x1F780] =	vst v63  }
0x2a: {  	_ =	swait.ge [sflag:s19], $0x2800  }
0x2b: {  	[sflag:s19] =	ssyncset.done $0x0  }
0x2c: {  	s31 =	simm.s32 $0xA0;
	[sflag:s19] =	ssyncadd.s32 $0xFFFFD800  }
0x2d: {  	[tilespmem:s15], [sflag:$0x1] =	stream.indirect.gather [hbm4b:s4+s14], $0x80, s31, s14, $0xb8;
	[tilespmem:$0x1F780] =	vst v63  }
0x2e: {  	s24 =	simm.s32 $0x400;
	_ =	swait.ge [sflag:s20], $0x2800  }
0x2f: {  	s25 =	simm.s32 $0x800;
	s23 =	simm.s32 $0x140;
	[sflag:s20] =	ssyncset.done $0x0  }
.LBB2_2:
0x30: {  	p0 =	sne.s32 s25, $0xF400;
	s26 =	sadd.s32 $0xFFFFFFB0, s23;
	[sflag:s20] =	ssyncadd.s32 $0xFFFFD800  }
0x31: {  	[tilespmem:s16], [sflag:$0x2] =	stream.indirect.gather [hbm4b:s4+s14], $0x80, s26, s14, $0xb8;
	[tilespmem:$0x1F780] =	vst v63  }
0x32: {  	s26 =	smov.u32 s25;
	s25 =	sadd.s32 $0x400, s25;
	_ =	swait.ge [sflag:s17], $0x2800  }
0x33: {  	s28 =	sshra.s32 s24, $0x2;
	s24 =	smov.u32 s26;
	[sflag:s17] =	ssyncset.done $0x0  }
0x34: {  	s26 =	sadd.s32 $0x2780, s28;
	[sflag:s17] =	ssyncadd.s32 $0xFFFFD800  }
0x35: {  	[spmem:s2] =	stream.indirect.scatter.add.f32 [tilespmem:s15], [sflag:$0x3], $0x80, s26, s14, $0xb8;
	[tilespmem:$0x1F780] =	vst v63  }
0x36: {  	_ =	swait.ge [sflag:s18], $0x2800  }
0x37: {  	[sflag:s18] =	ssyncset.done $0x0  }
0x38: {  	s26 =	sadd.s32 $0x2800, s28;
	[sflag:s18] =	ssyncadd.s32 $0xFFFFD800  }
0x39: {  	[spmem:s2] =	stream.indirect.scatter.add.f32 [tilespmem:s16], [sflag:$0x4], $0x80, s26, s14, $0xb8;
	[tilespmem:$0x1F780] =	vst v63  }
0x3a: {  	_ =	swait.ge [sflag:s19], $0x2800  }
.Ltmp0:
0x3b: {  	[sflag:s19] =	ssyncset.done $0x0;
	(pc) =	sbr.rel @p0 .LBB2_2-.Ltmp0, $4  }
0x3c: {  	[sflag:s19] =	ssyncadd.s32 $0xFFFFD800  }
0x3d: {  	[tilespmem:s15], [sflag:$0x1] =	stream.indirect.gather [hbm4b:s4+s14], $0x80, s23, s14, $0xb8;
	[tilespmem:$0x1F780] =	vst v63  }
0x3e: {  	_ =	swait.ge [sflag:s20], $0x2800  }
0x3f: {  	s23 =	sadd.s32 $0xA0, s23;
	[sflag:s20] =	ssyncset.done $0x0  }
0x40: {  	s25 =	sadd.s32 $0xFFFFFFB0, s23;
	[sflag:s20] =	ssyncadd.s32 $0xFFFFD800  }
0x41: {  	[tilespmem:s16], [sflag:$0x2] =	stream.indirect.gather [hbm4b:s4+s14], $0x80, s25, s14, $0xb8;
	[tilespmem:$0x1F780] =	vst v63  }
0x42: {  	_ =	swait.ge [sflag:s17], $0x2800  }
0x43: {  	s24 =	sshra.s32 s24, $0x2;
	[sflag:s17] =	ssyncset.done $0x0  }
0x44: {  	s31 =	sadd.s32 $0x2780, s24;
	[sflag:s17] =	ssyncadd.s32 $0xFFFFD800  }
0x45: {  	[spmem:s2] =	stream.indirect.scatter.add.f32 [tilespmem:s15], [sflag:$0x3], $0x80, s31, s14, $0xb8;
	[tilespmem:$0x1F780] =	vst v63  }
0x46: {  	_ =	swait.ge [sflag:s18], $0x2800  }
0x47: {  	[sflag:s18] =	ssyncset.done $0x0  }
0x48: {  	s24 =	sadd.s32 $0x2800, s24;
	[sflag:s18] =	ssyncadd.s32 $0xFFFFD800  }
0x49: {  	[spmem:s2] =	stream.indirect.scatter.add.f32 [tilespmem:s16], [sflag:$0x4], $0x80, s24, s14, $0xb8;
	[tilespmem:$0x1F780] =	vst v63  }
0x4a: {  	_ =	swait.ge [sflag:s19], $0x2800  }
0x4b: {  	[sflag:s19] =	ssyncset.done $0x0  }
0x4c: {  	[sflag:s19] =	ssyncadd.s32 $0xFFFFD800  }
0x4d: {  	[tilespmem:s15], [sflag:$0x1] =	stream.indirect.gather [hbm4b:s4+s14], $0x80, s23, s14, $0xb8;
	[tilespmem:$0x1F780] =	vst v63  }
0x4e: {  	_ =	swait.ge [sflag:s20], $0x2800  }
0x4f: {  	[sflag:s20] =	ssyncset.done $0x0  }
0x50: {  	[sflag:s20] =	ssyncadd.s32 $0xFFFFD800  }
0x51: {  	_ =	swait.ge [sflag:s17], $0x2800  }
0x52: {  	[sflag:s17] =	ssyncset.done $0x0  }
0x53: {  	[sflag:s17] =	ssyncadd.s32 $0xFFFFD800  }
0x54: {  	[spmem:s2] =	stream.indirect.scatter.add.f32 [tilespmem:s15], [sflag:$0x3], $0x80, s21, s14, $0xb8;
	[tilespmem:$0x1F780] =	vst v63  }
0x55: {  	_ =	swait.ge [sflag:s19], $0x2800  }
0x56: {  	s22 =	sadd.s32 $0x1, s22;
	[sflag:s19] =	ssyncset.done $0x0  }
0x57: {  	p0 =	sne.s32 s22, s10;
	[sflag:s19] =	ssyncadd.s32 $0xFFFFD800  }
.Ltmp1:
0x58: {  	[bflag:$0x0] =	sbarrier.arrive $0xFFFF;
	(pc) =	sbr.rel @p0 .LBB2_1-.Ltmp1, $4  }
0x59: {  	[hbm:s9], [sflag:s6] =	dma.local [spmem:s11], $0x2800  }
0x5a: {  	_ =	swait.ge [sflag:s12], $0x2800  }
0x5b: {  	[sflag:s12] =	ssyncset.done $0x0  }
0x5c: {  	[sflag:s12] =	ssyncadd.s32 $0xFFFFD800  }
0x5d: {  	_ =	sfence.sel $0x180000  }
0x5e: {  	[bflag:$0x0] =	sbarrier.arrive $0xFFFF  }
0x5f: {  	p0 =	sne.s32 s0, $0x0;
	_ =	strace $0x9000004A  }
0x60: {  	s0 =	sadd.s32 @!p0 $0x100000, s1;
	[bflag:$0x2] =	sbarrier.arrive $0xFFFF  }
0x61: {  	[sflag:s0] =	ssyncadd.tile.s32 @!p0 $0x1;
	_ =	shalt  }
.Lfunc_end2:
_tile_overlayer_lowered:
.L_overlay_start_2:
0x62: {  	(tag) =	ssettag $0x2  }
0x63: {  	s0 =	rddreg [dreg:$0x0];
	s2 =	stileid.u32  }
0x64: {  	s1 =	rddreg [dreg:$0x1];
	p0 =	sne.s32 s2, $0x0  }
0x65: {  	s3 =	rddreg [dreg:$0x2];
	[bflag:$0x3] =	sbarrier.arrive $0xFFFF;
	s2 =	simm.s32 @!p0 $0x1C05  }
0x66: {  	[timem:s3], [sflag:s2] =	dma.local @!p0 [hbm:s0], s1  }
0x67: {  	s0 =	simm.s32 @!p0 $0x5  }
0x68: {  	_ =	swait.ge @!p0 [sflag:s0], s1  }
0x69: {  	s1 =	ssub.s32 @!p0 $0x0, s1;
	[sflag:s0] =	ssyncset.done @!p0 $0x0  }
0x6a: {  	[sflag:s0] =	ssyncadd.s32 @!p0 s1  }
0x6b: {  	[bflag:$0x3] =	sbarrier.arrive $0xFFFF  }
0x6c: {  	_ =	shalt  }

// kernel: kernel.14.cloned.1.call-start
scs
__scs_entry_jumppad:
0x0: {  	(pc) =	sbr.rel $0x88, $3  }
0x1: {  	(tag) =	ssettag $0x0;
	lr =	simm.s32 $0x1  }
0x2: {  	[smem:$0x3F99] =	sst lr;
	_ =	strace $0xD0000000  }
0x3: {  	_ = 	snop  }
0x4: {  	_ = 	snop  }
0x5: {  	_ = 	snop  }
0x6: {  	_ = 	snop  }
0x7: {  	_ = 	snop  }
__scs_overlays_trampoline_lowered:
0x8: {  	[smem:$0x3FA8] =	sst s0  }
0x9: {  	[smem:$0x3FA9] =	sst s1  }
0xa: {  	[smem:$0x3FAA] =	sst s2  }
0xb: {  	[smem:$0x3FAB] =	sst s3  }
0xc: {  	[smem:$0x3FAC] =	sst s4  }
0xd: {  	[smem:$0x3FAD] =	sst s5  }
0xe: {  	[smem:$0x3FAE] =	sst s6  }
0xf: {  	[smem:$0x3FAF] =	sst s7  }
0x10: {  	[smem:$0x3FB0] =	sst s8  }
0x11: {  	[smem:$0x3FB1] =	sst s9;
	s0 =	simm.s32 @!p0 $0x0  }
0x12: {  	s1 =	sld [smem:$0x3F97];
	s0 =	simm.s32 @p0 $0x1  }
0x13: {  	[smem:$0x3FB2] =	sst s0;
	s0 =	simm.s32 @!p1 $0x0  }
0x14: {  	s2 =	sld [smem:$0x3F96];
	s0 =	simm.s32 @p1 $0x1  }
0x15: {  	[smem:$0x3FB3] =	sst s0;
	s0 =	simm.s32 @!p2 $0x0  }
0x16: {  	s3 =	sld [smem:$0x3FDB];
	s0 =	simm.s32 @p2 $0x1  }
0x17: {  	s4 =	simm.s32 $0x1BF5;
	[smem:$0x3FB5] =	sst s0  }
0x18: {  	s0 =	sld [smem:$0x3F98];
	_ =	swait.ge [sflag:s4], $0x0  }
0x19: {  	s7 =	sld [smem:$0x3F99]  }
0x1a: {  	s8 =	sadd.s32 $0xFFFFE003, lr  }
0x1b: {  	s9 =	sadd.s32 $0xFFFFFEF7, lr;
	s5 =	simm.s32 $0xFFFFFFFF;
	p2 =	slt.u32 s8, $0xFFFFF086  }
0x1c: {  	p1 =	slt.u32 s9, $0xF7A;
	s5 =	simm.s32 @!p2 $0x0  }
0x1d: {  	s5 =	simm.s32 @p1 $0x1;
	p0 =	seq.s32 s7, s2  }
0x1e: {  	s7 =	smul.u32 @!p0 $0xF7A, s2;
	p2 =	seq.s32 @!p0 s5, $0x0  }
0x1f: {  	s9 =	smul.u32 $0xF7A, s1;
	s8 =	simm.s32 @!p0 $0x1BF5;
	p2 =	por !p2, p0  }
0x20: {  	[sflag:s8] =	ssyncset.s32 @!p0 $0xFFFFF086;
	s6 =	sadd.s32 @!p0 s3, s7;
	s7 =	simm.s32 @!p0 $0x108  }
0x21: {  	s3 =	sadd.s32 s3, s9;
	s6 =	sadd.s32 @!p0 $0x88, s6;
	s7 =	simm.s32 @p2 $0x1082  }
0x22: {  	[simem:s7], [sflag:s8] =	dma.local @!p0 [hbm:s6], $0xF7A  }
0x23: {  	s9 =	sor.u32 $0xD0000000, s2;
	s6 =	simm.s32 $0x108;
	_ =	swait.ge @!p0 [sflag:s8], $0x0  }
0x24: {  	s3 =	sadd.s32 $0x88, s3;
	s6 =	simm.s32 @!p1 $0x1082;
	[sflag:s4] =	ssyncset.s32 $0xFFFFF086  }
0x25: {  	[simem:s6], [sflag:s4] =	dma.local [hbm:s3], $0xF7A  }
0x26: {  	[smem:$0x3F99] =	sst s1;
	(tag) =	ssettag s2;
	_ =	strace s9  }
0x27: {  	s1 =	sld [smem:$0x3FA9]  }
0x28: {  	s2 =	sld [smem:$0x3FAA]  }
0x29: {  	s4 =	sld [smem:$0x3FAC]  }
0x2a: {  	p0 =	seq.s32 s5, $0x0;
	s5 =	sld [smem:$0x3FAD]  }
0x2b: {  	s6 =	sld [smem:$0x3FAE]  }
0x2c: {  	s7 =	sld [smem:$0x3FAF]  }
0x2d: {  	s3 =	simm.s32 $0x108;
	s8 =	sld [smem:$0x3FB0]  }
0x2e: {  	s3 =	simm.s32 @!p0 $0x1082;
	s9 =	sld [smem:$0x3FB1]  }
0x2f: {  	lr =	sadd.s32 s0, s3;
	s0 =	sld [smem:$0x3FA8]  }
0x30: {  	s3 =	sld [smem:$0x3FAB]  }
0x31: {  	[smem:$0x3FB4] =	sst s10  }
0x32: {  	s10 =	sld [smem:$0x3FB2];
	_ =	sdelay $0x3  }
0x33: {  	p0 =	seq.s32 s10, $0x1;
	s10 =	sld [smem:$0x3FB4];
	_ =	sdelay $0x3  }
0x34: {  	[smem:$0x3FB4] =	sst s10  }
0x35: {  	s10 =	sld [smem:$0x3FB3];
	_ =	sdelay $0x3  }
0x36: {  	p1 =	seq.s32 s10, $0x1;
	s10 =	sld [smem:$0x3FB4];
	_ =	sdelay $0x3  }
0x37: {  	[smem:$0x3FB4] =	sst s10  }
0x38: {  	s10 =	sld [smem:$0x3FB5]  }
0x39: {  	_ = 	snop;
	(pc) =	sbr.ind lr, $3  }
0x3a: {  	_ = 	snop  }
0x3b: {  	_ = 	snop  }
0x3c: {  	p2 =	seq.s32 s10, $0x1;
	s10 =	sld [smem:$0x3FB4]  }
0x3d: {  	_ =	shalt  }
0x3e: {  	_ =	shalt  }
0x3f: {  	_ =	shalt  }
0x40: {  	_ =	shalt  }
0x41: {  	_ =	shalt  }
0x42: {  	_ =	shalt  }
0x43: {  	_ =	shalt  }
0x44: {  	_ =	shalt  }
0x45: {  	_ =	shalt  }
0x46: {  	_ =	shalt  }
0x47: {  	_ =	shalt  }
0x48: {  	_ =	shalt  }
0x49: {  	_ =	shalt  }
0x4a: {  	_ =	shalt  }
0x4b: {  	_ =	shalt  }
0x4c: {  	_ =	shalt  }
0x4d: {  	_ =	shalt  }
0x4e: {  	_ =	shalt  }
0x4f: {  	_ =	shalt  }
0x50: {  	_ =	shalt  }
0x51: {  	_ =	shalt  }
0x52: {  	_ =	shalt  }
0x53: {  	_ =	shalt  }
0x54: {  	_ =	shalt  }
0x55: {  	_ =	shalt  }
0x56: {  	_ =	shalt  }
0x57: {  	_ =	shalt  }
0x58: {  	_ =	shalt  }
0x59: {  	_ =	shalt  }
0x5a: {  	_ =	shalt  }
0x5b: {  	_ =	shalt  }
0x5c: {  	_ =	shalt  }
0x5d: {  	_ =	shalt  }
0x5e: {  	_ =	shalt  }
0x5f: {  	_ =	shalt  }
0x60: {  	_ =	shalt  }
0x61: {  	_ =	shalt  }
0x62: {  	_ =	shalt  }
0x63: {  	_ =	shalt  }
0x64: {  	_ =	shalt  }
0x65: {  	_ =	shalt  }
0x66: {  	_ =	shalt  }
0x67: {  	_ =	shalt  }
0x68: {  	_ =	shalt  }
0x69: {  	_ =	shalt  }
0x6a: {  	_ =	shalt  }
0x6b: {  	_ =	shalt  }
0x6c: {  	_ =	shalt  }
0x6d: {  	_ =	shalt  }
0x6e: {  	_ =	shalt  }
0x6f: {  	_ =	shalt  }
0x70: {  	_ =	shalt  }
0x71: {  	_ =	shalt  }
0x72: {  	_ =	shalt  }
0x73: {  	_ =	shalt  }
0x74: {  	_ =	shalt  }
0x75: {  	_ =	shalt  }
0x76: {  	_ =	shalt  }
0x77: {  	_ =	shalt  }
0x78: {  	_ =	shalt  }
0x79: {  	_ =	shalt  }
0x7a: {  	_ =	shalt  }
0x7b: {  	_ =	shalt  }
0x7c: {  	_ =	shalt  }
0x7d: {  	_ =	shalt  }
0x7e: {  	_ =	shalt  }
0x7f: {  	_ =	shalt  }
0x80: {  	_ =	shalt  }
0x81: {  	_ =	shalt  }
0x82: {  	_ =	shalt  }
0x83: {  	_ =	shalt  }
0x84: {  	_ =	shalt  }
0x85: {  	_ =	shalt  }
0x86: {  	_ =	shalt  }
0x87: {  	_ =	shalt  }
.Lfunc_end0:
.L_simem_size_0:
called_computation.2_lowered:
.L_overlay_start_0:
0x88: {  	s2 =	sld [smem:$0x3FD9]  }
0x89: {  	s3 =	sld [smem:$0x3FFE];
	_ =	sdelay $0x1  }
0x8a: {  	s1 =	srdreg.scid  }
0x8b: {  	s0 =	sand.u32 $0x1, s1  }
0x8c: {  	s14 =	sshll.u32 s0, $0xA;
	s2 =	sadd.s32 s3, s2  }
0x8d: {  	s2 =	sadd.s32 s2, s14  }
0x8e: {  	[smem:$0x3FC0] =	sst s2  }
0x8f: {  	_ = 	snop  }
0x90: {  	s2 =	sld [smem:$0x3FD0];
	_ =	sdelay $0x2  }
0x91: {  	s15 =	simm.s32 $0xA;
	s4 =	simm.s32 $0x10  }
0x92: {  	[smem:s4], [sflag:s15] =	dma.local [hbm:s2], $0x1  }
0x93: {  	_ =	swait.eq [sflag:s15], $0x1  }
0x94: {  	[sflag:s15] =	ssyncset.done $0x0  }
0x95: {  	[sflag:s15] =	ssyncadd.s32 $0xFFFFFFFF  }
0x96: {  	s16 =	sld [smem:$0x10];
	(tm) =	ssettm $0x1  }
0x97: {  	s17 =	sld [smem:$0x3FFB];
	_ =	sdelay $0x3  }
0x98: {  	_ =	strace s17  }
0x99: {  	s3 =	sld [smem:$0x3FFC];
	_ =	sdelay $0x3  }
0x9a: {  	_ =	strace s3  }
0x9b: {  	s3 =	sld [smem:$0x3FFD];
	_ =	sdelay $0x3  }
0x9c: {  	_ =	strace s3  }
0x9d: {  	_ =	strace $0x8FFFFFFF  }
0x9e: {  	s18 =	sld [smem:$0x3FDB];
	_ =	sdelay $0x1  }
0x9f: {  	s19 =	simm.s32 $_scs_section_size  }
0xa0: {  	s5 =	simm.s32 $_size__tile_overlayer_lowered;
	s6 =	simm.s32 $_tile_overlayer_lowered  }
0xa1: {  	s22 =	simm.s32 $0x1BFF;
	s21 =	sshll.u32 s6, $0x1;
	s3 =	sadd.s32 s19, s18  }
0xa2: {  	s7 =	simm.s32 $0x0;
	s20 =	sshll.u32 s5, $0x1;
	s5 =	sadd.s32 s21, s3  }
0xa3: {  	[timem:s7], [sflag:s22] =	dma.local [hbm:s5], s20  }
0xa4: {  	_ =	swait.ge [sflag:s22], s20  }
0xa5: {  	s4 =	ssub.s32 $0x0, s20;
	[sflag:s22] =	ssyncset.done $0x0  }
0xa6: {  	[sflag:s22] =	ssyncadd.s32 s4;
	_ =	sdelay $0x1  }
0xa7: {  	s23 =	simm.s32 $0x1B8B  }
0xa8: {  	_ =	swait.ge [sflag:s23], $0x1  }
0xa9: {  	[sflag:s23] =	ssyncset.done $0x0  }
0xaa: {  	s25 =	simm.s32 $0x1B8E;
	s24 =	sld [smem:$0x3FFE];
	[sflag:s23] =	ssyncadd.s32 $0xFFFFFFFF  }
0xab: {  	s26 =	simm.s32 $execute0_lowered;
	[smem:$0x3FD2] =	sst s25  }
0xac: {  	s5 =	sshll.u32 s26, $0x1;
	_ =	strace $0x8000004C;
	[dreg:$0x1] =	wrdreg $0xFFFFFFFF  }
0xad: {  	s28 =	simm.s32 $_size_execute0_lowered;
	s3 =	sadd.s32 s3, s5;
	[dreg:$0x0] =	wrdreg $0x0  }
0xae: {  	s5 =	sshll.u32 s28, $0x1;
	[dreg:$0x2] =	wrdreg s3  }
0xaf: {  	[dreg:$0x3] =	wrdreg s5  }
0xb0: {  	[dreg:$0x4] =	wrdreg $0xC0  }
0xb1: {  	_ =	task [dreg:s7], $0x5FFFF  }
0xb2: {  	[dreg:$0x1] =	wrdreg $0xFFFFFFFF  }
0xb3: {  	[dreg:$0x0] =	wrdreg $0x60  }
0xb4: {  	[dreg:$0x2] =	wrdreg s16  }
0xb5: {  	[dreg:$0x3] =	wrdreg s24  }
0xb6: {  	[dreg:$0x4] =	wrdreg $0xB7800  }
0xb7: {  	[dreg:$0x5] =	wrdreg $0x9  }
0xb8: {  	_ =	task.clear_ibuf [dreg:s7], $0x6FFFF;
	_ =	strace $0x9000004C  }
0xb9: {  	s29 =	simm.s32 $0x9;
	_ =	strace $0x8000004E  }
0xba: {  	_ =	swait.ge [sflag:s29], $0x1  }
0xbb: {  	[sflag:s29] =	ssyncadd.s32 $0xFFFFFFFF  }
0xbc: {  	_ =	strace $0x9000004E  }
0xbd: {  	_ =	sfence  }
0xbe: {  	s30 =	sld [smem:$0x0];
	_ =	sdelay $0x2  }
0xbf: {  	s31 =	sshll.u32 s1, $0xD;
	s1 =	sshrl.u32 s1, $0x2  }
0xc0: {  	s3 =	sand.u32 $0x4000, s31;
	s1 =	sadd.s32 s1, s30  }
0xc1: {  	s0 =	sor.u32 s3, s0;
	s1 =	sshll.u32 s1, $0x11  }
0xc2: {  	s0 =	sor.u32 s1, s0  }
0xc3: {  	s0 =	sadd.s32 $0x8F2B, s0  }
0xc4: {  	[sflag:s0] =	ssyncadd.remote.s32 $0x1  }
0xc5: {  	_ =	sfence.sel $0xFFFF  }
0xc6: {  	[dreg:$0x0] =	wrdreg $0xFFFFFFFF;
	(pc) =	sbr.abs _section_cstart, $3  }
0xc7: {  	[dreg:$0x1] =	wrdreg $0xFFFFFFFF  }
0xc8: {  	_ =	task.clear_ibuf [dreg:s7], $0x2FFFF;
	_ =	strace $0x9FFFFFFF  }
0xc9: {  	(tm) =	ssettm $0x7FFFFFFF  }
tec
execute0_lowered:
.L_overlay_start_1:
0x0: {  	(tag) =	ssettag $0x1  }
0x1: {  	s1 =	rddreg [dreg:$0x0]  }
0x2: {  	s2 =	srdreg.scid;
	s6 =	rddreg [dreg:$0x1]  }
0x3: {  	s0 =	stileid.u32;
	s3 =	rddreg [dreg:$0x2];
	s4 =	simm.s32 $0x0  }
0x4: {  	s14 =	simm.s32 $0x50;
	s15 =	simm.s32 $0x6780;
	s16 =	simm.s32 $0x8F80  }
0x5: {  	s17 =	simm.s32 $0x1;
	s18 =	simm.s32 $0x2;
	s19 =	simm.s32 $0x3  }
0x6: {  	s20 =	simm.s32 $0x4;
	s21 =	simm.s32 $0x6580;
	s22 =	simm.s32 $0x0  }
0x7: {  	s5 =	sand.u32 $0x1, s2;
	s2 =	rddreg [dreg:$0x3];
	s9 =	smul.u32 $0x14000, s0  }
0x8: {  	s26 =	sshll.u32 s0, $0x1;
	[smem:$0x7FF] =	sst s4;
	s29 =	smul.u32 $0x50000, s0  }
0x9: {  	s31 =	sshll.u32 s0, $0x6;
	s7 =	sor.u32 s5, s26;
	s10 =	smul.u32 $0x140000, s5  }
0xa: {  	_ =	strace $0x8000004D;
	s5 =	ssub.s32 $0x2, s5;
	s8 =	smul.u32 $0x4E2, s7  }
0xb: {  	s7 =	sshll.u32 s7, $0xB;
	s28 =	sshrl.u32 s9, $0x3;
	s30 =	sshrl.u32 s5, $0x1  }
0xc: {  	s11 =	sadd.s32 s7, s6;
	s9 =	sadd.s32 s9, s10;
	s7 =	sadd.s32 s28, s6  }
0xd: {  	s10 =	sshrl.u32 s29, $0x2;
	s12 =	ssub.s32 s5, s30;
	s8 =	sadd.s32 s8, s6  }
0xe: {  	s9 =	sshrl.u32 s9, $0x3;
	s13 =	sadd.s32 s10, s3;
	s5 =	sadd.s32 $0x44600, s7  }
0xf: {  	s10 =	smax.u32 s12, $0x1;
	s12 =	simm.s32 $0x5;
	s9 =	sadd.s32 s9, s6  }
0x10: {  	s6 =	sor.u32 $0x1C05, s31;
	s7 =	sadd.s32 $0x2800, s8;
	s8 =	sadd.s32 $0xC600, s11  }
0x11: {  	s11 =	sshrl.u32 s13, $0x3;
	s13 =	simm.s32 $0x2780;
	s9 =	sadd.s32 $0x6C600, s9  }
.LBB2_1:
0x12: {  	[spmem:s11], [sflag:s6] =	dma.local [hbm:s5], $0x2800  }
0x13: {  	_ =	swait.ge [sflag:s12], $0x2800  }
0x14: {  	[sflag:s12] =	ssyncset.done $0x0  }
0x15: {  	[sflag:s12] =	ssyncadd.s32 $0xFFFFD800  }
0x16: {  	[tilespmem:s4], [sflag:$0x5] =	stream.linear.gather [hbm4b:s7+s4], $0x2710, $0x38;
	[tilespmem:$0x1F780] =	vst v63  }
0x17: {  	_ =	swait.ge [sflag:s12], $0x2710  }
0x18: {  	[sflag:s12] =	ssyncset.done $0x0  }
0x19: {  	[sflag:s12] =	ssyncadd.s32 $0xFFFFD8F0  }
0x1a: {  	[tilespmem:s13], [sflag:$0x5] =	stream.linear.gather [hbm4b:s8+s4], $0x3E80, $0x38;
	[tilespmem:$0x1F780] =	vst v63  }
0x1b: {  	_ =	swait.ge [sflag:s12], $0x3E80  }
0x1c: {  	[sflag:s12] =	ssyncset.done $0x0  }
0x1d: {  	[sflag:s12] =	ssyncadd.s32 $0xFFFFC180  }
0x1e: {  	[bflag:$0x0] =	sbarrier.arrive $0xFFFF  }
0x1f: {  	[tilespmem:s15], [sflag:$0x1] =	stream.indirect.gather [hbm4b:s1+s14], $0x80, s4, s14, $0xb8;
	[tilespmem:$0x1F780] =	vst v63  }
0x20: {  	s23 =	simm.s32 $0x50  }
0x21: {  	[tilespmem:s16], [sflag:$0x2] =	stream.indirect.gather [hbm4b:s1+s14], $0x80, s23, s14, $0xb8;
	[tilespmem:$0x1F780] =	vst v63  }
0x22: {  	_ =	swait.ge [sflag:s17], $0x2800  }
0x23: {  	[sflag:s17] =	ssyncset.done $0x0  }
0x24: {  	s29 =	simm.s32 $0x2780;
	[sflag:s17] =	ssyncadd.s32 $0xFFFFD800  }
0x25: {  	[spmem:s3] =	stream.indirect.scatter.add.f32 [tilespmem:s15], [sflag:$0x3], $0x80, s29, s14, $0xb8;
	[tilespmem:$0x1F780] =	vst v63  }
0x26: {  	_ =	swait.ge [sflag:s18], $0x2800  }
0x27: {  	[sflag:s18] =	ssyncset.done $0x0  }
0x28: {  	s30 =	simm.s32 $0x2800;
	[sflag:s18] =	ssyncadd.s32 $0xFFFFD800  }
0x29: {  	[spmem:s3] =	stream.indirect.scatter.add.f32 [tilespmem:s16], [sflag:$0x4], $0x80, s30, s14, $0xb8;
	[tilespmem:$0x1F780] =	vst v63  }
0x2a: {  	_ =	swait.ge [sflag:s19], $0x2800  }
0x2b: {  	[sflag:s19] =	ssyncset.done $0x0  }
0x2c: {  	s31 =	simm.s32 $0xA0;
	[sflag:s19] =	ssyncadd.s32 $0xFFFFD800  }
0x2d: {  	[tilespmem:s15], [sflag:$0x1] =	stream.indirect.gather [hbm4b:s1+s14], $0x80, s31, s14, $0xb8;
	[tilespmem:$0x1F780] =	vst v63  }
0x2e: {  	s24 =	simm.s32 $0x400;
	_ =	swait.ge [sflag:s20], $0x2800  }
0x2f: {  	s25 =	simm.s32 $0x800;
	s23 =	simm.s32 $0x140;
	[sflag:s20] =	ssyncset.done $0x0  }
.LBB2_2:
0x30: {  	p0 =	sne.s32 s25, $0xF400;
	s26 =	sadd.s32 $0xFFFFFFB0, s23;
	[sflag:s20] =	ssyncadd.s32 $0xFFFFD800  }
0x31: {  	[tilespmem:s16], [sflag:$0x2] =	stream.indirect.gather [hbm4b:s1+s14], $0x80, s26, s14, $0xb8;
	[tilespmem:$0x1F780] =	vst v63  }
0x32: {  	s26 =	smov.u32 s25;
	s25 =	sadd.s32 $0x400, s25;
	_ =	swait.ge [sflag:s17], $0x2800  }
0x33: {  	s28 =	sshra.s32 s24, $0x2;
	s24 =	smov.u32 s26;
	[sflag:s17] =	ssyncset.done $0x0  }
0x34: {  	s26 =	sadd.s32 $0x2780, s28;
	[sflag:s17] =	ssyncadd.s32 $0xFFFFD800  }
0x35: {  	[spmem:s3] =	stream.indirect.scatter.add.f32 [tilespmem:s15], [sflag:$0x3], $0x80, s26, s14, $0xb8;
	[tilespmem:$0x1F780] =	vst v63  }
0x36: {  	_ =	swait.ge [sflag:s18], $0x2800  }
0x37: {  	[sflag:s18] =	ssyncset.done $0x0  }
0x38: {  	s26 =	sadd.s32 $0x2800, s28;
	[sflag:s18] =	ssyncadd.s32 $0xFFFFD800  }
0x39: {  	[spmem:s3] =	stream.indirect.scatter.add.f32 [tilespmem:s16], [sflag:$0x4], $0x80, s26, s14, $0xb8;
	[tilespmem:$0x1F780] =	vst v63  }
0x3a: {  	_ =	swait.ge [sflag:s19], $0x2800  }
.Ltmp0:
0x3b: {  	[sflag:s19] =	ssyncset.done $0x0;
	(pc) =	sbr.rel @p0 .LBB2_2-.Ltmp0, $4  }
0x3c: {  	[sflag:s19] =	ssyncadd.s32 $0xFFFFD800  }
0x3d: {  	[tilespmem:s15], [sflag:$0x1] =	stream.indirect.gather [hbm4b:s1+s14], $0x80, s23, s14, $0xb8;
	[tilespmem:$0x1F780] =	vst v63  }
0x3e: {  	_ =	swait.ge [sflag:s20], $0x2800  }
0x3f: {  	s23 =	sadd.s32 $0xA0, s23;
	[sflag:s20] =	ssyncset.done $0x0  }
0x40: {  	s25 =	sadd.s32 $0xFFFFFFB0, s23;
	[sflag:s20] =	ssyncadd.s32 $0xFFFFD800  }
0x41: {  	[tilespmem:s16], [sflag:$0x2] =	stream.indirect.gather [hbm4b:s1+s14], $0x80, s25, s14, $0xb8;
	[tilespmem:$0x1F780] =	vst v63  }
0x42: {  	_ =	swait.ge [sflag:s17], $0x2800  }
0x43: {  	s24 =	sshra.s32 s24, $0x2;
	[sflag:s17] =	ssyncset.done $0x0  }
0x44: {  	s31 =	sadd.s32 $0x2780, s24;
	[sflag:s17] =	ssyncadd.s32 $0xFFFFD800  }
0x45: {  	[spmem:s3] =	stream.indirect.scatter.add.f32 [tilespmem:s15], [sflag:$0x3], $0x80, s31, s14, $0xb8;
	[tilespmem:$0x1F780] =	vst v63  }
0x46: {  	_ =	swait.ge [sflag:s18], $0x2800  }
0x47: {  	[sflag:s18] =	ssyncset.done $0x0  }
0x48: {  	s24 =	sadd.s32 $0x2800, s24;
	[sflag:s18] =	ssyncadd.s32 $0xFFFFD800  }
0x49: {  	[spmem:s3] =	stream.indirect.scatter.add.f32 [tilespmem:s16], [sflag:$0x4], $0x80, s24, s14, $0xb8;
	[tilespmem:$0x1F780] =	vst v63  }
0x4a: {  	_ =	swait.ge [sflag:s19], $0x2800  }
0x4b: {  	[sflag:s19] =	ssyncset.done $0x0  }
0x4c: {  	[sflag:s19] =	ssyncadd.s32 $0xFFFFD800  }
0x4d: {  	[tilespmem:s15], [sflag:$0x1] =	stream.indirect.gather [hbm4b:s1+s14], $0x80, s23, s14, $0xb8;
	[tilespmem:$0x1F780] =	vst v63  }
0x4e: {  	_ =	swait.ge [sflag:s20], $0x2800  }
0x4f: {  	[sflag:s20] =	ssyncset.done $0x0  }
0x50: {  	[sflag:s20] =	ssyncadd.s32 $0xFFFFD800  }
0x51: {  	_ =	swait.ge [sflag:s17], $0x2800  }
0x52: {  	[sflag:s17] =	ssyncset.done $0x0  }
0x53: {  	[sflag:s17] =	ssyncadd.s32 $0xFFFFD800  }
0x54: {  	[spmem:s3] =	stream.indirect.scatter.add.f32 [tilespmem:s15], [sflag:$0x3], $0x80, s21, s14, $0xb8;
	[tilespmem:$0x1F780] =	vst v63  }
0x55: {  	_ =	swait.ge [sflag:s19], $0x2800  }
0x56: {  	s22 =	sadd.s32 $0x1, s22;
	[sflag:s19] =	ssyncset.done $0x0  }
0x57: {  	p0 =	sne.s32 s22, s10;
	[sflag:s19] =	ssyncadd.s32 $0xFFFFD800  }
.Ltmp1:
0x58: {  	[bflag:$0x0] =	sbarrier.arrive $0xFFFF;
	(pc) =	sbr.rel @p0 .LBB2_1-.Ltmp1, $4  }
0x59: {  	[hbm:s9], [sflag:s6] =	dma.local [spmem:s11], $0x2800  }
0x5a: {  	_ =	swait.ge [sflag:s12], $0x2800  }
0x5b: {  	[sflag:s12] =	ssyncset.done $0x0  }
0x5c: {  	[sflag:s12] =	ssyncadd.s32 $0xFFFFD800  }
0x5d: {  	_ =	sfence.sel $0x180000  }
0x5e: {  	[bflag:$0x0] =	sbarrier.arrive $0xFFFF  }
0x5f: {  	p0 =	sne.s32 s0, $0x0;
	_ =	strace $0x9000004D  }
0x60: {  	s0 =	sadd.s32 @!p0 $0x100000, s2;
	[bflag:$0x2] =	sbarrier.arrive $0xFFFF  }
0x61: {  	[sflag:s0] =	ssyncadd.tile.s32 @!p0 $0x1;
	_ =	shalt  }
.Lfunc_end2:
_tile_overlayer_lowered:
.L_overlay_start_2:
0x62: {  	(tag) =	ssettag $0x2  }
0x63: {  	s0 =	rddreg [dreg:$0x0];
	s2 =	stileid.u32  }
0x64: {  	s1 =	rddreg [dreg:$0x1];
	p0 =	sne.s32 s2, $0x0  }
0x65: {  	s3 =	rddreg [dreg:$0x2];
	[bflag:$0x3] =	sbarrier.arrive $0xFFFF;
	s2 =	simm.s32 @!p0 $0x1C05  }
0x66: {  	[timem:s3], [sflag:s2] =	dma.local @!p0 [hbm:s0], s1  }
0x67: {  	s0 =	simm.s32 @!p0 $0x5  }
0x68: {  	_ =	swait.ge @!p0 [sflag:s0], s1  }
0x69: {  	s1 =	ssub.s32 @!p0 $0x0, s1;
	[sflag:s0] =	ssyncset.done @!p0 $0x0  }
0x6a: {  	[sflag:s0] =	ssyncadd.s32 @!p0 s1  }
0x6b: {  	[bflag:$0x3] =	sbarrier.arrive $0xFFFF  }
0x6c: {  	_ =	shalt  }

// kernel: kernel.8.cloned.1.call-start
scs
__scs_entry_jumppad:
0x0: {  	(pc) =	sbr.rel $0x88, $3  }
0x1: {  	(tag) =	ssettag $0x0;
	lr =	simm.s32 $0x1  }
0x2: {  	[smem:$0x3F99] =	sst lr;
	_ =	strace $0xD0000000  }
0x3: {  	_ = 	snop  }
0x4: {  	_ = 	snop  }
0x5: {  	_ = 	snop  }
0x6: {  	_ = 	snop  }
0x7: {  	_ = 	snop  }
__scs_overlays_trampoline_lowered:
0x8: {  	[smem:$0x3FA8] =	sst s0  }
0x9: {  	[smem:$0x3FA9] =	sst s1  }
0xa: {  	[smem:$0x3FAA] =	sst s2  }
0xb: {  	[smem:$0x3FAB] =	sst s3  }
0xc: {  	[smem:$0x3FAC] =	sst s4  }
0xd: {  	[smem:$0x3FAD] =	sst s5  }
0xe: {  	[smem:$0x3FAE] =	sst s6  }
0xf: {  	[smem:$0x3FAF] =	sst s7  }
0x10: {  	[smem:$0x3FB0] =	sst s8  }
0x11: {  	[smem:$0x3FB1] =	sst s9;
	s0 =	simm.s32 @!p0 $0x0  }
0x12: {  	s1 =	sld [smem:$0x3F97];
	s0 =	simm.s32 @p0 $0x1  }
0x13: {  	[smem:$0x3FB2] =	sst s0;
	s0 =	simm.s32 @!p1 $0x0  }
0x14: {  	s2 =	sld [smem:$0x3F96];
	s0 =	simm.s32 @p1 $0x1  }
0x15: {  	[smem:$0x3FB3] =	sst s0;
	s0 =	simm.s32 @!p2 $0x0  }
0x16: {  	s3 =	sld [smem:$0x3FDB];
	s0 =	simm.s32 @p2 $0x1  }
0x17: {  	s4 =	simm.s32 $0x1BF5;
	[smem:$0x3FB5] =	sst s0  }
0x18: {  	s0 =	sld [smem:$0x3F98];
	_ =	swait.ge [sflag:s4], $0x0  }
0x19: {  	s7 =	sld [smem:$0x3F99]  }
0x1a: {  	s8 =	sadd.s32 $0xFFFFE003, lr  }
0x1b: {  	s9 =	sadd.s32 $0xFFFFFEF7, lr;
	s5 =	simm.s32 $0xFFFFFFFF;
	p2 =	slt.u32 s8, $0xFFFFF086  }
0x1c: {  	p1 =	slt.u32 s9, $0xF7A;
	s5 =	simm.s32 @!p2 $0x0  }
0x1d: {  	s5 =	simm.s32 @p1 $0x1;
	p0 =	seq.s32 s7, s2  }
0x1e: {  	s7 =	smul.u32 @!p0 $0xF7A, s2;
	p2 =	seq.s32 @!p0 s5, $0x0  }
0x1f: {  	s9 =	smul.u32 $0xF7A, s1;
	s8 =	simm.s32 @!p0 $0x1BF5;
	p2 =	por !p2, p0  }
0x20: {  	[sflag:s8] =	ssyncset.s32 @!p0 $0xFFFFF086;
	s6 =	sadd.s32 @!p0 s3, s7;
	s7 =	simm.s32 @!p0 $0x108  }
0x21: {  	s3 =	sadd.s32 s3, s9;
	s6 =	sadd.s32 @!p0 $0x88, s6;
	s7 =	simm.s32 @p2 $0x1082  }
0x22: {  	[simem:s7], [sflag:s8] =	dma.local @!p0 [hbm:s6], $0xF7A  }
0x23: {  	s9 =	sor.u32 $0xD0000000, s2;
	s6 =	simm.s32 $0x108;
	_ =	swait.ge @!p0 [sflag:s8], $0x0  }
0x24: {  	s3 =	sadd.s32 $0x88, s3;
	s6 =	simm.s32 @!p1 $0x1082;
	[sflag:s4] =	ssyncset.s32 $0xFFFFF086  }
0x25: {  	[simem:s6], [sflag:s4] =	dma.local [hbm:s3], $0xF7A  }
0x26: {  	[smem:$0x3F99] =	sst s1;
	(tag) =	ssettag s2;
	_ =	strace s9  }
0x27: {  	s1 =	sld [smem:$0x3FA9]  }
0x28: {  	s2 =	sld [smem:$0x3FAA]  }
0x29: {  	s4 =	sld [smem:$0x3FAC]  }
0x2a: {  	p0 =	seq.s32 s5, $0x0;
	s5 =	sld [smem:$0x3FAD]  }
0x2b: {  	s6 =	sld [smem:$0x3FAE]  }
0x2c: {  	s7 =	sld [smem:$0x3FAF]  }
0x2d: {  	s3 =	simm.s32 $0x108;
	s8 =	sld [smem:$0x3FB0]  }
0x2e: {  	s3 =	simm.s32 @!p0 $0x1082;
	s9 =	sld [smem:$0x3FB1]  }
0x2f: {  	lr =	sadd.s32 s0, s3;
	s0 =	sld [smem:$0x3FA8]  }
0x30: {  	s3 =	sld [smem:$0x3FAB]  }
0x31: {  	[smem:$0x3FB4] =	sst s10  }
0x32: {  	s10 =	sld [smem:$0x3FB2];
	_ =	sdelay $0x3  }
0x33: {  	p0 =	seq.s32 s10, $0x1;
	s10 =	sld [smem:$0x3FB4];
	_ =	sdelay $0x3  }
0x34: {  	[smem:$0x3FB4] =	sst s10  }
0x35: {  	s10 =	sld [smem:$0x3FB3];
	_ =	sdelay $0x3  }
0x36: {  	p1 =	seq.s32 s10, $0x1;
	s10 =	sld [smem:$0x3FB4];
	_ =	sdelay $0x3  }
0x37: {  	[smem:$0x3FB4] =	sst s10  }
0x38: {  	s10 =	sld [smem:$0x3FB5]  }
0x39: {  	_ = 	snop;
	(pc) =	sbr.ind lr, $3  }
0x3a: {  	_ = 	snop  }
0x3b: {  	_ = 	snop  }
0x3c: {  	p2 =	seq.s32 s10, $0x1;
	s10 =	sld [smem:$0x3FB4]  }
0x3d: {  	_ =	shalt  }
0x3e: {  	_ =	shalt  }
0x3f: {  	_ =	shalt  }
0x40: {  	_ =	shalt  }
0x41: {  	_ =	shalt  }
0x42: {  	_ =	shalt  }
0x43: {  	_ =	shalt  }
0x44: {  	_ =	shalt  }
0x45: {  	_ =	shalt  }
0x46: {  	_ =	shalt  }
0x47: {  	_ =	shalt  }
0x48: {  	_ =	shalt  }
0x49: {  	_ =	shalt  }
0x4a: {  	_ =	shalt  }
0x4b: {  	_ =	shalt  }
0x4c: {  	_ =	shalt  }
0x4d: {  	_ =	shalt  }
0x4e: {  	_ =	shalt  }
0x4f: {  	_ =	shalt  }
0x50: {  	_ =	shalt  }
0x51: {  	_ =	shalt  }
0x52: {  	_ =	shalt  }
0x53: {  	_ =	shalt  }
0x54: {  	_ =	shalt  }
0x55: {  	_ =	shalt  }
0x56: {  	_ =	shalt  }
0x57: {  	_ =	shalt  }
0x58: {  	_ =	shalt  }
0x59: {  	_ =	shalt  }
0x5a: {  	_ =	shalt  }
0x5b: {  	_ =	shalt  }
0x5c: {  	_ =	shalt  }
0x5d: {  	_ =	shalt  }
0x5e: {  	_ =	shalt  }
0x5f: {  	_ =	shalt  }
0x60: {  	_ =	shalt  }
0x61: {  	_ =	shalt  }
0x62: {  	_ =	shalt  }
0x63: {  	_ =	shalt  }
0x64: {  	_ =	shalt  }
0x65: {  	_ =	shalt  }
0x66: {  	_ =	shalt  }
0x67: {  	_ =	shalt  }
0x68: {  	_ =	shalt  }
0x69: {  	_ =	shalt  }
0x6a: {  	_ =	shalt  }
0x6b: {  	_ =	shalt  }
0x6c: {  	_ =	shalt  }
0x6d: {  	_ =	shalt  }
0x6e: {  	_ =	shalt  }
0x6f: {  	_ =	shalt  }
0x70: {  	_ =	shalt  }
0x71: {  	_ =	shalt  }
0x72: {  	_ =	shalt  }
0x73: {  	_ =	shalt  }
0x74: {  	_ =	shalt  }
0x75: {  	_ =	shalt  }
0x76: {  	_ =	shalt  }
0x77: {  	_ =	shalt  }
0x78: {  	_ =	shalt  }
0x79: {  	_ =	shalt  }
0x7a: {  	_ =	shalt  }
0x7b: {  	_ =	shalt  }
0x7c: {  	_ =	shalt  }
0x7d: {  	_ =	shalt  }
0x7e: {  	_ =	shalt  }
0x7f: {  	_ =	shalt  }
0x80: {  	_ =	shalt  }
0x81: {  	_ =	shalt  }
0x82: {  	_ =	shalt  }
0x83: {  	_ =	shalt  }
0x84: {  	_ =	shalt  }
0x85: {  	_ =	shalt  }
0x86: {  	_ =	shalt  }
0x87: {  	_ =	shalt  }
.Lfunc_end0:
.L_simem_size_0:
called_computation_lowered:
.L_overlay_start_0:
0x88: {  	s2 =	sld [smem:$0x3FD9]  }
0x89: {  	s3 =	sld [smem:$0x3FFE];
	_ =	sdelay $0x1  }
0x8a: {  	s1 =	srdreg.scid  }
0x8b: {  	s0 =	sand.u32 $0x1, s1  }
0x8c: {  	s15 =	sshll.u32 s0, $0xA;
	s2 =	sadd.s32 s3, s2  }
0x8d: {  	s2 =	sadd.s32 s2, s15  }
0x8e: {  	[smem:$0x3FC0] =	sst s2  }
0x8f: {  	_ = 	snop  }
0x90: {  	s2 =	sld [smem:$0x3FD0];
	_ =	sdelay $0x2  }
0x91: {  	s16 =	simm.s32 $0xA;
	s4 =	simm.s32 $0x10  }
0x92: {  	[smem:s4], [sflag:s16] =	dma.local [hbm:s2], $0x1  }
0x93: {  	_ =	swait.eq [sflag:s16], $0x1  }
0x94: {  	[sflag:s16] =	ssyncset.done $0x0  }
0x95: {  	s17 =	sld [smem:$0x10];
	[sflag:s16] =	ssyncadd.s32 $0xFFFFFFFF  }
0x96: {  	s18 =	sld [smem:$0x11];
	(tm) =	ssettm $0x1  }
0x97: {  	s19 =	sld [smem:$0x3FFB];
	_ =	sdelay $0x3  }
0x98: {  	_ =	strace s19  }
0x99: {  	s4 =	sld [smem:$0x3FFC];
	_ =	sdelay $0x3  }
0x9a: {  	_ =	strace s4  }
0x9b: {  	s4 =	sld [smem:$0x3FFD];
	_ =	sdelay $0x3  }
0x9c: {  	_ =	strace s4  }
0x9d: {  	_ =	strace $0x8FFFFFFF  }
0x9e: {  	s20 =	sld [smem:$0x3FDB];
	_ =	sdelay $0x1  }
0x9f: {  	s5 =	simm.s32 $_scs_section_size  }
0xa0: {  	s6 =	simm.s32 $_size__tile_overlayer_lowered;
	s7 =	simm.s32 $_tile_overlayer_lowered  }
0xa1: {  	s23 =	simm.s32 $0x1BFF;
	s22 =	sshll.u32 s7, $0x1;
	s4 =	sadd.s32 s5, s20  }
0xa2: {  	s8 =	simm.s32 $0x0;
	s21 =	sshll.u32 s6, $0x1;
	s6 =	sadd.s32 s22, s4  }
0xa3: {  	[timem:s8], [sflag:s23] =	dma.local [hbm:s6], s21  }
0xa4: {  	_ =	swait.ge [sflag:s23], s21  }
0xa5: {  	s5 =	ssub.s32 $0x0, s21;
	[sflag:s23] =	ssyncset.done $0x0  }
0xa6: {  	[sflag:s23] =	ssyncadd.s32 s5;
	_ =	sdelay $0x1  }
0xa7: {  	s24 =	simm.s32 $0x1B8B  }
0xa8: {  	_ =	swait.ge [sflag:s24], $0x1  }
0xa9: {  	[sflag:s24] =	ssyncset.done $0x0  }
0xaa: {  	s25 =	simm.s32 $0x1B8E;
	[sflag:s24] =	ssyncadd.s32 $0xFFFFFFFF  }
0xab: {  	s26 =	simm.s32 $execute0_lowered;
	[smem:$0x3FD2] =	sst s25  }
0xac: {  	s5 =	sshll.u32 s26, $0x1;
	_ =	strace $0x80000046;
	[dreg:$0x1] =	wrdreg $0xFFFFFFFF  }
0xad: {  	s28 =	simm.s32 $_size_execute0_lowered;
	s4 =	sadd.s32 s4, s5;
	[dreg:$0x0] =	wrdreg $0x0  }
0xae: {  	s5 =	sshll.u32 s28, $0x1;
	[dreg:$0x2] =	wrdreg s4  }
0xaf: {  	[dreg:$0x3] =	wrdreg s5  }
0xb0: {  	[dreg:$0x4] =	wrdreg $0xC0  }
0xb1: {  	_ =	task [dreg:s8], $0x5FFFF  }
0xb2: {  	[dreg:$0x1] =	wrdreg $0xFFFFFFFF  }
0xb3: {  	[dreg:$0x0] =	wrdreg $0x60  }
0xb4: {  	[dreg:$0x2] =	wrdreg s17  }
0xb5: {  	[dreg:$0x3] =	wrdreg s18  }
0xb6: {  	[dreg:$0x4] =	wrdreg $0x9  }
0xb7: {  	_ =	task.clear_ibuf [dreg:s8], $0x5FFFF;
	_ =	strace $0x90000046  }
0xb8: {  	s29 =	simm.s32 $0x9;
	_ =	strace $0x80000048  }
0xb9: {  	_ =	swait.ge [sflag:s29], $0x1  }
0xba: {  	[sflag:s29] =	ssyncadd.s32 $0xFFFFFFFF  }
0xbb: {  	_ =	strace $0x90000048  }
0xbc: {  	_ =	sfence  }
0xbd: {  	s30 =	sld [smem:$0x0];
	_ =	sdelay $0x2  }
0xbe: {  	s31 =	sshll.u32 s1, $0xD;
	s1 =	sshrl.u32 s1, $0x2  }
0xbf: {  	s3 =	sand.u32 $0x4000, s31;
	s1 =	sadd.s32 s1, s30  }
0xc0: {  	s0 =	sor.u32 s3, s0;
	s1 =	sshll.u32 s1, $0x11  }
0xc1: {  	s0 =	sor.u32 s1, s0  }
0xc2: {  	s0 =	sadd.s32 $0x8F2B, s0  }
0xc3: {  	[sflag:s0] =	ssyncadd.remote.s32 $0x1  }
0xc4: {  	_ =	sfence.sel $0xFFFF  }
0xc5: {  	[dreg:$0x0] =	wrdreg $0xFFFFFFFF;
	(pc) =	sbr.abs _section_cstart, $3  }
0xc6: {  	[dreg:$0x1] =	wrdreg $0xFFFFFFFF  }
0xc7: {  	_ =	task.clear_ibuf [dreg:s8], $0x2FFFF;
	_ =	strace $0x9FFFFFFF  }
0xc8: {  	(tm) =	ssettm $0x7FFFFFFF  }
0xc9: {  	_ =	shalt  }
tec
execute0_lowered:
.L_overlay_start_1:
0x0: {  	(tag) =	ssettag $0x1  }
0x1: {  	s1 =	srdreg.scid;
	s3 =	rddreg [dreg:$0x0]  }
0x2: {  	s0 =	stileid.u32;
	s5 =	rddreg [dreg:$0x1]  }
0x3: {  	s2 =	simm.s32 $0x0;
	s10 =	simm.s32 $0x0;
	s4 =	sand.u32 $0x1, s1  }
0x4: {  	s7 =	sshrl.u32 s0, $0x3;
	s1 =	rddreg [dreg:$0x2];
	s6 =	smul.u32 $0x28000, s4  }
0x5: {  	s8 =	sshll.u32 s0, $0x1;
	s9 =	sshll.u32 s0, $0x7;
	s7 =	smul.u32 $0x14000, s7  }
0x6: {  	[smem:$0x7FF] =	sst s2;
	s8 =	sor.u32 s4, s8;
	s30 =	sand.u32 $0x380, s9  }
0x7: {  	s4 =	ssub.s32 $0x2, s4;
	_ =	strace $0x80000047;
	s6 =	sadd.s32 s6, s7  }
0x8: {  	s8 =	smul.u32 $0x4E2, s8;
	s31 =	sshrl.u32 s4, $0x1;
	s6 =	sor.u32 s30, s6  }
0x9: {  	s9 =	simm.s32 $0x400;
	s7 =	ssub.s32 s4, s31;
	s6 =	sshrl.u32 s6, $0x3  }
0xa: {  	s3 =	sadd.s32 s3, s8;
	s8 =	simm.s32 $0x80;
	s4 =	sadd.s32 s5, s6  }
0xb: {  	v0 =	vimm.f32 $0.0e+00;
	v1 =	vimm.f32 $1.000000000e+00;
	s5 =	smax.u32 s7, $0x1;
	s6 =	simm.s32 $0x1;
	s7 =	simm.s32 $0x2780  }
.LBB2_1:
0xc: {  	[tilespmem:s2], [sflag:$0x1] =	stream.linear.gather [hbm4b:s3+s2], $0x2710, $0x38;
	[tilespmem:$0x4F80] =	vst v63  }
0xd: {  	_ =	swait.ge [sflag:s6], $0x2710  }
0xe: {  	[sflag:s6] =	ssyncset.done $0x0  }
0xf: {  	s11 =	simm.s32 $0x0;
	[sflag:s6] =	ssyncadd.s32 $0xFFFFD8F0  }
.LBB2_2:
0x10: {  	p0 =	sne.s32 s11, $0x9FC0  }
.Ltmp0:
0x11: {  	_ = 	snop;
	(pc) =	sbr.rel @p0 .LBB2_2-.Ltmp0, $3  }
0x12: {  	_ =	sdelay $0x1  }
0x13: {  	s12 =	sshra.s32 s11, $0x2  }
0x14: {  	s11 =	sadd.s32 $0x40, s11;
	[tilespmem:s12+$0x2780] =	vst v0  }
0x15: {  	s12 =	simm.s32 $0x0;
	s11 =	simm.s32 $0x40  }
.LBB2_4:
0x16: {  	p0 =	sne.s32 s11, $0x9C00;
	v2 =	vld [tilespmem:s12+$0x0];
	_ =	sdelay $0x3  }
.Ltmp1:
0x17: {  	(pc) =	sbr.rel @p0 .LBB2_4-.Ltmp1, $2  }
0x18: {  	_ =	sdelay $0x2  }
0x19: {  	s12 =	sshra.s32 s11, $0x2;
	s11 =	sadd.s32 $0x40, s11;
	[tilespmem:v2+s7+$0x0] =	vst.idx.add.f32.msk $0xffff, v1  }
0x1a: {  	v2 =	vld [tilespmem:s12+$0x0];
	_ =	sdelay $0x5  }
0x1b: {  	s10 =	sadd.s32 $0x1, s10  }
0x1c: {  	p0 =	sne.s32 s10, s5  }
.Ltmp2:
0x1d: {  	[tilespmem:v2+s7+$0x0] =	vst.idx.add.f32.msk $0xffff, v1;
	(pc) =	sbr.rel @p0 .LBB2_1-.Ltmp2, $4  }
0x1e: {  	[hbm4b:s4+s8] =	stream.strided.scatter [tilespmem:s7], [sflag:$0x1], $0x2800, s9, s8, $0x38;
	[tilespmem:$0x4F80] =	vst v63  }
0x1f: {  	_ =	swait.ge [sflag:s6], $0x2800  }
0x20: {  	[sflag:s6] =	ssyncset.done $0x0  }
0x21: {  	[sflag:s6] =	ssyncadd.s32 $0xFFFFD800  }
0x22: {  	_ =	sfence.sel $0x180000  }
0x23: {  	[bflag:$0x0] =	sbarrier.arrive $0xFFFF  }
0x24: {  	p0 =	sne.s32 s0, $0x0;
	_ =	strace $0x90000047  }
0x25: {  	s0 =	sadd.s32 @!p0 $0x100000, s1;
	[bflag:$0x2] =	sbarrier.arrive $0xFFFF  }
0x26: {  	[sflag:s0] =	ssyncadd.tile.s32 @!p0 $0x1;
	_ =	shalt  }
.Lfunc_end2:
_tile_overlayer_lowered:
.L_overlay_start_2:
0x27: {  	(tag) =	ssettag $0x2  }
0x28: {  	s0 =	rddreg [dreg:$0x0];
	s2 =	stileid.u32  }
0x29: {  	s1 =	rddreg [dreg:$0x1];
	p0 =	sne.s32 s2, $0x0  }
0x2a: {  	s3 =	rddreg [dreg:$0x2];
	[bflag:$0x3] =	sbarrier.arrive $0xFFFF;
	s2 =	simm.s32 @!p0 $0x1C01  }
0x2b: {  	[timem:s3], [sflag:s2] =	dma.local @!p0 [hbm:s0], s1  }
0x2c: {  	s0 =	simm.s32 @!p0 $0x1  }
0x2d: {  	_ =	swait.ge @!p0 [sflag:s0], s1  }
0x2e: {  	s1 =	ssub.s32 @!p0 $0x0, s1;
	[sflag:s0] =	ssyncset.done @!p0 $0x0  }
0x2f: {  	[sflag:s0] =	ssyncadd.s32 @!p0 s1  }
0x30: {  	[bflag:$0x3] =	sbarrier.arrive $0xFFFF  }
0x31: {  	_ =	shalt  }

</sc_bundles>
